<compile_context>
chip_gen: v7x
topology: tpu7x:2x2x1
jax: 0.10.2.dev20260603
libtpu: 0.0.44.dev20260713+nightly
codegen_flags: <defaults>
</compile_context>

<pallas_src>
import functools

import jax
import jax.numpy as jnp
from jax import lax
from jax.experimental import pallas as pl
from jax.experimental.pallas import tpu as pltpu
from jax.experimental.pallas import tpu_sc as plsc

E, K, D, I, R = 8, 2, 768, 2048, 64
SCALING = 16.0 / 64.0
T = 2048
BT = 512
ER = E * R


def _bids_body(x_ref, wct_ref, b_ref, wealth_ref, out_ref, xb_ref):
    x = x_ref[...]
    logits = jnp.dot(x, wct_ref[...], preferred_element_type=jnp.float32)
    logits = logits + b_ref[...]
    out_ref[...] = jax.nn.sigmoid(logits) * wealth_ref[...]
    xb_ref[...] = x.astype(jnp.bfloat16)


def _compute_bids(x2, W_conf, b_conf, wealth):
    return pl.pallas_call(
        _bids_body,
        out_shape=[jax.ShapeDtypeStruct((T, E), jnp.float32),
                   jax.ShapeDtypeStruct((T, D), jnp.bfloat16)],
    )(x2, W_conf.T, b_conf.reshape(1, E), wealth.reshape(1, E))


def _route(bids):
    info = plsc.get_sparse_core_info()
    nc, ns = info.num_cores, info.num_subcores
    nw = nc * ns
    per = T // nw
    chunk = per * E

    @functools.partial(
        pl.kernel,
        out_type=jax.ShapeDtypeStruct((T * E,), jnp.float32),
        mesh=plsc.VectorSubcoreMesh(core_axis_name="c", subcore_axis_name="s"),
        scratch_types=[
            pltpu.VMEM((chunk,), jnp.float32),
            pltpu.VMEM((chunk,), jnp.float32),
        ],
    )
    def k(bids_hbm, out_hbm, bv, cv):
        wid = lax.axis_index("s") * nc + lax.axis_index("c")
        base = wid * chunk
        pltpu.sync_copy(bids_hbm.at[pl.ds(base, chunk)], bv)
        for g in range(per // 16):
            b = [bv[pl.ds(e * per + g * 16, 16)] for e in range(E)]
            m1 = b[0]
            a1 = jnp.zeros((16,), jnp.int32)
            m2 = jnp.full((16,), -jnp.inf, jnp.float32)
            a2 = jnp.full((16,), -1, jnp.int32)
            for e in range(1, E):
                be = b[e]
                gt1 = be > m1
                gt2 = be > m2
                m2n = jnp.where(gt1, m1, jnp.where(gt2, be, m2))
                a2n = jnp.where(gt1, a1, jnp.where(gt2, e, a2))
                m1 = jnp.where(gt1, be, m1)
                a1 = jnp.where(gt1, e, a1)
                m2, a2 = m2n, a2n
            t = jnp.exp(m2 - m1)
            denom = 1.0 + t
            w1 = 1.0 / denom
            w2 = t / denom
            for e in range(E):
                ce = jnp.where(a1 == e, w1, jnp.where(a2 == e, w2, 0.0))
                cv[pl.ds(e * per + g * 16, 16)] = ce
        pltpu.sync_copy(cv, out_hbm.at[pl.ds(base, chunk)])

    bw = bids.reshape(nw, per, E).transpose(0, 2, 1).reshape(nw * E * per)
    out = k(bw)
    return out.reshape(nw, E, per).transpose(0, 2, 1).reshape(T, E)


def _prep_body(bg_ref, bu_ref, bd_ref, gB_ref, uB_ref, dB_ref,
               bg_o, bu_o, bd_o, gB_o, uB_o, dB_o):
    bf = jnp.bfloat16
    bg_o[...] = bg_ref[...].astype(bf)
    bu_o[...] = bu_ref[...].astype(bf)
    bd_o[...] = bd_ref[...].astype(bf)
    gB_o[...] = gB_ref[...].astype(bf)
    uB_o[...] = uB_ref[...].astype(bf)
    dB_o[...] = dB_ref[...].astype(bf)


def _prep(base_gate, base_up, base_down, gB2, uB2, dB2):
    bf = jnp.bfloat16
    return pl.pallas_call(
        _prep_body,
        out_shape=[
            jax.ShapeDtypeStruct((D, I), bf),
            jax.ShapeDtypeStruct((D, I), bf),
            jax.ShapeDtypeStruct((I, D), bf),
            jax.ShapeDtypeStruct((ER, I), bf),
            jax.ShapeDtypeStruct((ER, I), bf),
            jax.ShapeDtypeStruct((ER, D), bf),
        ],
    )(base_gate, base_up, base_down, gB2, uB2, dB2)


def _ffn_body(x_ref, c_ref, A_ref, gB_ref, uB_ref, bg_ref, bu_ref, bd_ref,
              dA_ref, dB_ref, y_ref):
    bf = jnp.bfloat16
    xb = x_ref[...]
    g0 = jnp.dot(xb, bg_ref[...], preferred_element_type=jnp.float32).astype(bf)
    u0 = jnp.dot(xb, bu_ref[...], preferred_element_type=jnp.float32).astype(bf)
    P = jnp.dot(xb, A_ref[...], preferred_element_type=jnp.float32) * SCALING
    Pb = P.astype(bf)
    gB = gB_ref[...]
    uB = uB_ref[...]
    dA = dA_ref[...]
    c = c_ref[...]
    accH = jnp.zeros((BT, I), bf)
    qs = []
    for e in range(E):
        pg = Pb[:, e * R:(e + 1) * R]
        pu = Pb[:, ER + e * R:ER + (e + 1) * R]
        dg = jnp.dot(pg, gB[e * R:(e + 1) * R, :], preferred_element_type=jnp.float32)
        du = jnp.dot(pu, uB[e * R:(e + 1) * R, :], preferred_element_type=jnp.float32)
        g = g0.astype(jnp.float32) + dg
        u = u0.astype(jnp.float32) + du
        h = (g * jax.nn.sigmoid(g)) * u
        ch = (h * c[:, e:e + 1]).astype(bf)
        accH = accH + ch
        q = jnp.dot(ch, dA[:, e * R:(e + 1) * R],
                    preferred_element_type=jnp.float32).astype(bf)
        qs.append(q)
    Q = jnp.concatenate(qs, axis=1)
    y = jnp.dot(accH, bd_ref[...], preferred_element_type=jnp.float32)
    y = y + SCALING * jnp.dot(Q, dB_ref[...], preferred_element_type=jnp.float32)
    y_ref[...] = y


def _ffn(xb16, c, A_all, gB_all, uB_all, bg, bu, bd, dA_all, dB_all):
    full = lambda shape: pl.BlockSpec(shape, lambda i: (0, 0))
    return pl.pallas_call(
        _ffn_body,
        grid=(T // BT,),
        in_specs=[
            pl.BlockSpec((BT, D), lambda i: (i, 0)),
            pl.BlockSpec((BT, E), lambda i: (i, 0)),
            full((D, 2 * ER)),
            full((ER, I)),
            full((ER, I)),
            full((D, I)),
            full((D, I)),
            full((I, D)),
            full((I, ER)),
            full((ER, D)),
        ],
        out_specs=pl.BlockSpec((BT, D), lambda i: (i, 0)),
        out_shape=jax.ShapeDtypeStruct((T, D), jnp.float32),
        compiler_params=pltpu.CompilerParams(
            dimension_semantics=("arbitrary",),
        ),
    )(xb16, c, A_all, gB_all, uB_all, bg, bu, bd, dA_all, dB_all)


def kernel(x, W_conf, b_conf, wealth, base_gate, base_up, base_down,
           gate_A, gate_B, up_A, up_B, down_A, down_B):
    Bx, Sx, Dx = x.shape
    x2 = x.reshape(T, D)

    bids, xb16 = _compute_bids(x2, W_conf, b_conf, wealth)
    combine = _route(bids)

    bf = jnp.bfloat16
    A_all = jnp.concatenate(
        [gate_A.transpose(1, 0, 2).reshape(D, ER),
         up_A.transpose(1, 0, 2).reshape(D, ER)], axis=1).astype(bf)
    dA_all = down_A.transpose(1, 0, 2).reshape(I, ER).astype(bf)
    bg16, bu16, bd16, gB_all, uB_all, dB_all = _prep(
        base_gate, base_up, base_down,
        gate_B.reshape(ER, I), up_B.reshape(ER, I), down_B.reshape(ER, D))

    y = _ffn(xb16, combine, A_all, gB_all, uB_all,
             bg16, bu16, bd16, dA_all, dB_all)
    return y.reshape(Bx, Sx, Dx)

# --- scband reference (transcript-rebuilt; emitter-appended) ---
"""Pipeline reference for scband-mixture-of-bidders-59450937311879 (READ-ONLY COPY).

The authoritative reference and input builder live on the scoring server;
editing this copy changes nothing except your own understanding.
"""

import jax, jax.numpy as jnp
import numpy as np

E, K, D, I, R = 8, 2, 768, 2048, 64
SCALING = 16.0 / 64.0
B, S = 1, 2048


def setup_inputs(seed: int = 0) -> dict:
    key = jax.random.key(seed)
    ks = jax.random.split(key, 16)
    inp = {}
    inp["x"] = jax.random.normal(ks[0], (B, S, D), dtype=jnp.float32)
    # Confidence heads (one Linear(D,1) per expert), stacked: weight (E, D), bias (E,)
    inp["W_conf"] = jax.random.normal(ks[1], (E, D), dtype=jnp.float32) * 0.01
    inp["b_conf"] = (jnp.arange(E, dtype=jnp.float32) - E / 2.0) * 0.1
    # Wealth buffer, initialized to initial_wealth
    inp["wealth"] = jnp.full((E,), 100.0, dtype=jnp.float32)
    # Shared base SwiGLU FFN (use_shared_base=True)
    inp["base_gate"] = jax.random.normal(ks[2], (D, I), dtype=jnp.float32) * 0.02
    inp["base_up"] = jax.random.normal(ks[3], (D, I), dtype=jnp.float32) * 0.02
    inp["base_down"] = jax.random.normal(ks[4], (I, D), dtype=jnp.float32) * 0.02
    # Per-expert LoRA adapters (LightweightExpert); nonzero B for a meaningful test
    inp["gate_A"] = jax.random.normal(ks[5], (E, D, R), dtype=jnp.float32) * 0.02
    inp["gate_B"] = jax.random.normal(ks[6], (E, R, I), dtype=jnp.float32) * 0.01
    inp["up_A"] = jax.random.normal(ks[7], (E, D, R), dtype=jnp.float32) * 0.02
    inp["up_B"] = jax.random.normal(ks[8], (E, R, I), dtype=jnp.float32) * 0.01
    inp["down_A"] = jax.random.normal(ks[9], (E, I, R), dtype=jnp.float32) * 0.02
    inp["down_B"] = jax.random.normal(ks[10], (E, R, D), dtype=jnp.float32) * 0.01
    return inp


def reference(x, W_conf, b_conf, wealth, base_gate, base_up, base_down,
              gate_A, gate_B, up_A, up_B, down_A, down_B):
    Bx, Sx, Dx = x.shape
    # 1) ConfidenceHead per expert: sigmoid(Linear(D,1))
    conf = jax.nn.sigmoid(jnp.einsum('bsd,ed->bse', x, W_conf) + b_conf[None, None, :])
    # 2) VCG auction (eval / non-training branch)
    bids = conf * wealth[None, None, :]
    top_bids, sel = jax.lax.top_k(bids, K)  # (B,S,K)
    all_sorted = -jnp.sort(-bids, axis=-1)  # descending sort
    payments = jnp.broadcast_to(all_sorted[..., K:K + 1], top_bids.shape)
    routing_weights = jax.nn.softmax(top_bids, axis=-1)  # (B,S,K)
    # dense combine weights: zeros for unselected experts (exactly equals sparse MoE combine)
    combine = jnp.sum(jax.nn.one_hot(sel, E, dtype=x.dtype) * routing_weights[..., None], axis=2)  # (B,S,E)
    # 3) LightweightExpert: shared base + per-expert low-rank adapters
    flat = x.reshape(-1, Dx)  # (T, D)
    g0 = flat @ base_gate
    u0 = flat @ base_up

    def expert_out(gA, gB, uA, uB, dA, dB):
        g = g0 + ((flat @ gA) @ gB) * SCALING
        u = u0 + ((flat @ uA) @ uB) * SCALING
        h = jax.nn.silu(g) * u
        return h @ base_down + ((h @ dA) @ dB) * SCALING  # (T, D)

    outs = jax.vmap(expert_out)(gate_A, gate_B, up_A, up_B, down_A, down_B)  # (E, T, D)
    cw = combine.reshape(-1, E)  # (T, E)
    y = jnp.einsum('etd,te->td', outs, cw).reshape(Bx, Sx, Dx)
    return y

if __name__ == "__main__":
    import jax
    _d = setup_inputs()
    print(jax.jit(kernel)(*tuple(_d.values())))

</pallas_src>

<mosaic_0001>
#map = affine_map<(d0, d1) -> (0)>
module attributes {stable_mosaic.version = 14 : i64} {
  func.func @k(%arg0: i32, %arg1: i32, %arg2: memref<16384xf32, #tpu.memory_space<hbm>>, %arg3: memref<16384xf32, #tpu.memory_space<hbm>>, %arg4: memref<512xf32, #tpu.memory_space<vmem>>, %arg5: memref<512xf32, #tpu.memory_space<vmem>>) attributes {dimension_semantics = [#tpu.dimension_semantics<core_parallel>, #tpu.dimension_semantics<subcore_parallel>], iteration_bounds = array<i64: 2, 16>, scalar_prefetch = 0 : i64, scratch_operands = 2 : i64, tpu.core_type = #tpu.core_type<sc_vector_subcore>, window_params = [{transform_indices = #map}, {transform_indices = #map}]} {
    %mul3A = arith.constant 2 : i32
    %mul3A_0 = arith.muli %arg1, %mul3A : i32
    %add3A = arith.addi %mul3A_0, %arg0 : i32
    %mul3A_1 = arith.constant 512 : i32
    %mul3A_2 = arith.muli %add3A, %mul3A_1 : i32
    "tpu.region"() ({
      %run_scoped3A = tpu.sem_alloc : memref<!tpu.dma_semaphore, #tpu.memory_space<semaphore_mem>>
      %dma_start3A = tpu.memref_slice %arg2[%mul3A_2] : memref<16384xf32, #tpu.memory_space<hbm>> -> memref<512xf32, #tpu.memory_space<hbm>>
      %dma_start3A_933 = tpu.memref_slice %arg2[%mul3A_2] : memref<16384xf32, #tpu.memory_space<hbm>> -> memref<512xf32, #tpu.memory_space<hbm>>
      tpu.enqueue_dma source(%dma_start3A_933 : memref<512xf32, #tpu.memory_space<hbm>>) target(%arg4 : memref<512xf32, #tpu.memory_space<vmem>>) target_semaphore(%run_scoped3A : memref<!tpu.dma_semaphore, #tpu.memory_space<semaphore_mem>>)
      %dma_wait3A = tpu.memref_slice %arg2[%mul3A_2] : memref<16384xf32, #tpu.memory_space<hbm>> -> memref<512xf32, #tpu.memory_space<hbm>>
      %dma_wait3A_934 = tpu.memref_slice %arg2[%mul3A_2] : memref<16384xf32, #tpu.memory_space<hbm>> -> memref<512xf32, #tpu.memory_space<hbm>>
      tpu.wait_dma2 semaphore(%run_scoped3A : memref<!tpu.dma_semaphore, #tpu.memory_space<semaphore_mem>>) src(%dma_wait3A_934 : memref<512xf32, #tpu.memory_space<hbm>>) dst(%arg4 : memref<512xf32, #tpu.memory_space<vmem>>)
      tpu.yield
    }) : () -> ()
    %get3A = arith.constant 0 : index
    %get3A_3 = tpu.vector_load %arg4[%get3A] {strides = array<i32>} : memref<512xf32, #tpu.memory_space<vmem>>, vector<16xf32>,
    %get3A_4 = vector.shape_cast %get3A_3 : vector<16xf32> to vector<16xf32>
    %get3A_5 = arith.constant 64 : index
    %get3A_6 = tpu.vector_load %arg4[%get3A_5] {strides = array<i32>} : memref<512xf32, #tpu.memory_space<vmem>>, vector<16xf32>,
    %get3A_7 = vector.shape_cast %get3A_6 : vector<16xf32> to vector<16xf32>
    %get3A_8 = arith.constant 128 : index
    %get3A_9 = tpu.vector_load %arg4[%get3A_8] {strides = array<i32>} : memref<512xf32, #tpu.memory_space<vmem>>, vector<16xf32>,
    %get3A_10 = vector.shape_cast %get3A_9 : vector<16xf32> to vector<16xf32>
    %get3A_11 = arith.constant 192 : index
    %get3A_12 = tpu.vector_load %arg4[%get3A_11] {strides = array<i32>} : memref<512xf32, #tpu.memory_space<vmem>>, vector<16xf32>,
    %get3A_13 = vector.shape_cast %get3A_12 : vector<16xf32> to vector<16xf32>
    %get3A_14 = arith.constant 256 : index
    %get3A_15 = tpu.vector_load %arg4[%get3A_14] {strides = array<i32>} : memref<512xf32, #tpu.memory_space<vmem>>, vector<16xf32>,
    %get3A_16 = vector.shape_cast %get3A_15 : vector<16xf32> to vector<16xf32>
    %get3A_17 = arith.constant 320 : index
    %get3A_18 = tpu.vector_load %arg4[%get3A_17] {strides = array<i32>} : memref<512xf32, #tpu.memory_space<vmem>>, vector<16xf32>,
    %get3A_19 = vector.shape_cast %get3A_18 : vector<16xf32> to vector<16xf32>
    %get3A_20 = arith.constant 384 : index
    %get3A_21 = tpu.vector_load %arg4[%get3A_20] {strides = array<i32>} : memref<512xf32, #tpu.memory_space<vmem>>, vector<16xf32>,
    %get3A_22 = vector.shape_cast %get3A_21 : vector<16xf32> to vector<16xf32>
    %get3A_23 = arith.constant 448 : index
    %get3A_24 = tpu.vector_load %arg4[%get3A_23] {strides = array<i32>} : memref<512xf32, #tpu.memory_space<vmem>>, vector<16xf32>,
    %get3A_25 = vector.shape_cast %get3A_24 : vector<16xf32> to vector<16xf32>
    %broadcast_in_dim3A = arith.constant 0 : i32
    %broadcast_in_dim3A_26 = vector.broadcast %broadcast_in_dim3A : i32 to vector<16xi32>
    %broadcast_in_dim3A_27 = arith.constant 0xFF800000 : f32
    %broadcast_in_dim3A_28 = vector.broadcast %broadcast_in_dim3A_27 : f32 to vector<16xf32>
    %broadcast_in_dim3A_29 = arith.constant -1 : i32
    %broadcast_in_dim3A_30 = vector.broadcast %broadcast_in_dim3A_29 : i32 to vector<16xi32>
    %gt3A = arith.cmpf ogt, %get3A_7, %get3A_4 : vector<16xf32>
    %gt3A_31 = arith.cmpf ogt, %get3A_7, %broadcast_in_dim3A_28 : vector<16xf32>
    %select_n3A = arith.select %gt3A_31, %get3A_7, %broadcast_in_dim3A_28 : vector<16xi1>, vector<16xf32>
    %select_n3A_32 = arith.select %gt3A, %get3A_4, %select_n3A : vector<16xi1>, vector<16xf32>
    %jit3A = arith.constant 1 : i32
    %broadcast_in_dim3A_33 = vector.broadcast %jit3A : i32 to vector<16xi32>
    %select_n3A_34 = arith.select %gt3A_31, %broadcast_in_dim3A_33, %broadcast_in_dim3A_30 : vector<16xi1>, vector<16xi32>
    %select_n3A_35 = arith.select %gt3A, %broadcast_in_dim3A_26, %select_n3A_34 : vector<16xi1>, vector<16xi32>
    %select_n3A_36 = arith.select %gt3A, %get3A_7, %get3A_4 : vector<16xi1>, vector<16xf32>
    %jit3A_37 = arith.constant 1 : i32
    %broadcast_in_dim3A_38 = vector.broadcast %jit3A_37 : i32 to vector<16xi32>
    %select_n3A_39 = arith.select %gt3A, %broadcast_in_dim3A_38, %broadcast_in_dim3A_26 : vector<16xi1>, vector<16xi32>
    %gt3A_40 = arith.cmpf ogt, %get3A_10, %select_n3A_36 : vector<16xf32>
    %gt3A_41 = arith.cmpf ogt, %get3A_10, %select_n3A_32 : vector<16xf32>
    %select_n3A_42 = arith.select %gt3A_41, %get3A_10, %select_n3A_32 : vector<16xi1>, vector<16xf32>
    %select_n3A_43 = arith.select %gt3A_40, %select_n3A_36, %select_n3A_42 : vector<16xi1>, vector<16xf32>
    %jit3A_44 = arith.constant 2 : i32
    %broadcast_in_dim3A_45 = vector.broadcast %jit3A_44 : i32 to vector<16xi32>
    %select_n3A_46 = arith.select %gt3A_41, %broadcast_in_dim3A_45, %select_n3A_35 : vector<16xi1>, vector<16xi32>
    %select_n3A_47 = arith.select %gt3A_40, %select_n3A_39, %select_n3A_46 : vector<16xi1>, vector<16xi32>
    %select_n3A_48 = arith.select %gt3A_40, %get3A_10, %select_n3A_36 : vector<16xi1>, vector<16xf32>
    %jit3A_49 = arith.constant 2 : i32
    %broadcast_in_dim3A_50 = vector.broadcast %jit3A_49 : i32 to vector<16xi32>
    %select_n3A_51 = arith.select %gt3A_40, %broadcast_in_dim3A_50, %select_n3A_39 : vector<16xi1>, vector<16xi32>
    %gt3A_52 = arith.cmpf ogt, %get3A_13, %select_n3A_48 : vector<16xf32>
    %gt3A_53 = arith.cmpf ogt, %get3A_13, %select_n3A_43 : vector<16xf32>
    %select_n3A_54 = arith.select %gt3A_53, %get3A_13, %select_n3A_43 : vector<16xi1>, vector<16xf32>
    %select_n3A_55 = arith.select %gt3A_52, %select_n3A_48, %select_n3A_54 : vector<16xi1>, vector<16xf32>
    %jit3A_56 = arith.constant 3 : i32
    %broadcast_in_dim3A_57 = vector.broadcast %jit3A_56 : i32 to vector<16xi32>
    %select_n3A_58 = arith.select %gt3A_53, %broadcast_in_dim3A_57, %select_n3A_47 : vector<16xi1>, vector<16xi32>
    %select_n3A_59 = arith.select %gt3A_52, %select_n3A_51, %select_n3A_58 : vector<16xi1>, vector<16xi32>
    %select_n3A_60 = arith.select %gt3A_52, %get3A_13, %select_n3A_48 : vector<16xi1>, vector<16xf32>
    %jit3A_61 = arith.constant 3 : i32
    %broadcast_in_dim3A_62 = vector.broadcast %jit3A_61 : i32 to vector<16xi32>
    %select_n3A_63 = arith.select %gt3A_52, %broadcast_in_dim3A_62, %select_n3A_51 : vector<16xi1>, vector<16xi32>
    %gt3A_64 = arith.cmpf ogt, %get3A_16, %select_n3A_60 : vector<16xf32>
    %gt3A_65 = arith.cmpf ogt, %get3A_16, %select_n3A_55 : vector<16xf32>
    %select_n3A_66 = arith.select %gt3A_65, %get3A_16, %select_n3A_55 : vector<16xi1>, vector<16xf32>
    %select_n3A_67 = arith.select %gt3A_64, %select_n3A_60, %select_n3A_66 : vector<16xi1>, vector<16xf32>
    %jit3A_68 = arith.constant 4 : i32
    %broadcast_in_dim3A_69 = vector.broadcast %jit3A_68 : i32 to vector<16xi32>
    %select_n3A_70 = arith.select %gt3A_65, %broadcast_in_dim3A_69, %select_n3A_59 : vector<16xi1>, vector<16xi32>
    %select_n3A_71 = arith.select %gt3A_64, %select_n3A_63, %select_n3A_70 : vector<16xi1>, vector<16xi32>
    %select_n3A_72 = arith.select %gt3A_64, %get3A_16, %select_n3A_60 : vector<16xi1>, vector<16xf32>
    %jit3A_73 = arith.constant 4 : i32
    %broadcast_in_dim3A_74 = vector.broadcast %jit3A_73 : i32 to vector<16xi32>
    %select_n3A_75 = arith.select %gt3A_64, %broadcast_in_dim3A_74, %select_n3A_63 : vector<16xi1>, vector<16xi32>
    %gt3A_76 = arith.cmpf ogt, %get3A_19, %select_n3A_72 : vector<16xf32>
    %gt3A_77 = arith.cmpf ogt, %get3A_19, %select_n3A_67 : vector<16xf32>
    %select_n3A_78 = arith.select %gt3A_77, %get3A_19, %select_n3A_67 : vector<16xi1>, vector<16xf32>
    %select_n3A_79 = arith.select %gt3A_76, %select_n3A_72, %select_n3A_78 : vector<16xi1>, vector<16xf32>
    %jit3A_80 = arith.constant 5 : i32
    %broadcast_in_dim3A_81 = vector.broadcast %jit3A_80 : i32 to vector<16xi32>
    %select_n3A_82 = arith.select %gt3A_77, %broadcast_in_dim3A_81, %select_n3A_71 : vector<16xi1>, vector<16xi32>
    %select_n3A_83 = arith.select %gt3A_76, %select_n3A_75, %select_n3A_82 : vector<16xi1>, vector<16xi32>
    %select_n3A_84 = arith.select %gt3A_76, %get3A_19, %select_n3A_72 : vector<16xi1>, vector<16xf32>
    %jit3A_85 = arith.constant 5 : i32
    %broadcast_in_dim3A_86 = vector.broadcast %jit3A_85 : i32 to vector<16xi32>
    %select_n3A_87 = arith.select %gt3A_76, %broadcast_in_dim3A_86, %select_n3A_75 : vector<16xi1>, vector<16xi32>
    %gt3A_88 = arith.cmpf ogt, %get3A_22, %select_n3A_84 : vector<16xf32>
    %gt3A_89 = arith.cmpf ogt, %get3A_22, %select_n3A_79 : vector<16xf32>
    %select_n3A_90 = arith.select %gt3A_89, %get3A_22, %select_n3A_79 : vector<16xi1>, vector<16xf32>
    %select_n3A_91 = arith.select %gt3A_88, %select_n3A_84, %select_n3A_90 : vector<16xi1>, vector<16xf32>
    %jit3A_92 = arith.constant 6 : i32
    %broadcast_in_dim3A_93 = vector.broadcast %jit3A_92 : i32 to vector<16xi32>
    %select_n3A_94 = arith.select %gt3A_89, %broadcast_in_dim3A_93, %select_n3A_83 : vector<16xi1>, vector<16xi32>
    %select_n3A_95 = arith.select %gt3A_88, %select_n3A_87, %select_n3A_94 : vector<16xi1>, vector<16xi32>
    %select_n3A_96 = arith.select %gt3A_88, %get3A_22, %select_n3A_84 : vector<16xi1>, vector<16xf32>
    %jit3A_97 = arith.constant 6 : i32
    %broadcast_in_dim3A_98 = vector.broadcast %jit3A_97 : i32 to vector<16xi32>
    %select_n3A_99 = arith.select %gt3A_88, %broadcast_in_dim3A_98, %select_n3A_87 : vector<16xi1>, vector<16xi32>
    %gt3A_100 = arith.cmpf ogt, %get3A_25, %select_n3A_96 : vector<16xf32>
    %gt3A_101 = arith.cmpf ogt, %get3A_25, %select_n3A_91 : vector<16xf32>
    %select_n3A_102 = arith.select %gt3A_101, %get3A_25, %select_n3A_91 : vector<16xi1>, vector<16xf32>
    %select_n3A_103 = arith.select %gt3A_100, %select_n3A_96, %select_n3A_102 : vector<16xi1>, vector<16xf32>
    %jit3A_104 = arith.constant 7 : i32
    %broadcast_in_dim3A_105 = vector.broadcast %jit3A_104 : i32 to vector<16xi32>
    %select_n3A_106 = arith.select %gt3A_101, %broadcast_in_dim3A_105, %select_n3A_95 : vector<16xi1>, vector<16xi32>
    %select_n3A_107 = arith.select %gt3A_100, %select_n3A_99, %select_n3A_106 : vector<16xi1>, vector<16xi32>
    %select_n3A_108 = arith.select %gt3A_100, %get3A_25, %select_n3A_96 : vector<16xi1>, vector<16xf32>
    %jit3A_109 = arith.constant 7 : i32
    %broadcast_in_dim3A_110 = vector.broadcast %jit3A_109 : i32 to vector<16xi32>
    %select_n3A_111 = arith.select %gt3A_100, %broadcast_in_dim3A_110, %select_n3A_99 : vector<16xi1>, vector<16xi32>
    %sub3A = arith.subf %select_n3A_103, %select_n3A_108 : vector<16xf32>
    %exp3A = math.exp %sub3A : vector<16xf32>
    %add3A_112 = arith.constant 1.000000e+00 : f32
    %add3A_113 = vector.broadcast %add3A_112 : f32 to vector<16xf32>
    %add3A_114 = arith.addf %add3A_113, %exp3A : vector<16xf32>
    %div3A = arith.constant 1.000000e+00 : f32
    %div3A_115 = vector.broadcast %div3A : f32 to vector<16xf32>
    %div3A_116 = arith.divf %div3A_115, %add3A_114 : vector<16xf32>
    %div3A_117 = arith.divf %exp3A, %add3A_114 : vector<16xf32>
    %eq3A = arith.constant 0 : i32
    %eq3A_118 = vector.broadcast %eq3A : i32 to vector<16xi32>
    %eq3A_119 = arith.cmpi eq, %select_n3A_111, %eq3A_118 : vector<16xi32>
    %eq3A_120 = arith.constant 0 : i32
    %eq3A_121 = vector.broadcast %eq3A_120 : i32 to vector<16xi32>
    %eq3A_122 = arith.cmpi eq, %select_n3A_107, %eq3A_121 : vector<16xi32>
    %jit3A_123 = arith.constant 0.000000e+00 : f32
    %broadcast_in_dim3A_124 = vector.broadcast %jit3A_123 : f32 to vector<16xf32>
    %select_n3A_125 = arith.select %eq3A_122, %div3A_117, %broadcast_in_dim3A_124 : vector<16xi1>, vector<16xf32>
    %select_n3A_126 = arith.select %eq3A_119, %div3A_116, %select_n3A_125 : vector<16xi1>, vector<16xf32>
    %swap3A = arith.constant 0 : index
    %swap3A_127 = tpu.vector_load %arg5[%swap3A] {strides = array<i32>} : memref<512xf32, #tpu.memory_space<vmem>>, vector<16xf32>,
    %swap3A_128 = vector.shape_cast %swap3A_127 : vector<16xf32> to vector<16xf32>
    %swap3A_129 = vector.shape_cast %select_n3A_126 : vector<16xf32> to vector<16xf32>
    tpu.vector_store %arg5[%swap3A], %swap3A_129 {strides = array<i32>} : memref<512xf32, #tpu.memory_space<vmem>>, vector<16xf32>,
    %eq3A_130 = arith.constant 1 : i32
    %eq3A_131 = vector.broadcast %eq3A_130 : i32 to vector<16xi32>
    %eq3A_132 = arith.cmpi eq, %select_n3A_111, %eq3A_131 : vector<16xi32>
    %eq3A_133 = arith.constant 1 : i32
    %eq3A_134 = vector.broadcast %eq3A_133 : i32 to vector<16xi32>
    %eq3A_135 = arith.cmpi eq, %select_n3A_107, %eq3A_134 : vector<16xi32>
    %jit3A_136 = arith.constant 0.000000e+00 : f32
    %broadcast_in_dim3A_137 = vector.broadcast %jit3A_136 : f32 to vector<16xf32>
    %select_n3A_138 = arith.select %eq3A_135, %div3A_117, %broadcast_in_dim3A_137 : vector<16xi1>, vector<16xf32>
    %select_n3A_139 = arith.select %eq3A_132, %div3A_116, %select_n3A_138 : vector<16xi1>, vector<16xf32>
    %swap3A_140 = arith.constant 64 : index
    %swap3A_141 = tpu.vector_load %arg5[%swap3A_140] {strides = array<i32>} : memref<512xf32, #tpu.memory_space<vmem>>, vector<16xf32>,
    %swap3A_142 = vector.shape_cast %swap3A_141 : vector<16xf32> to vector<16xf32>
    %swap3A_143 = vector.shape_cast %select_n3A_139 : vector<16xf32> to vector<16xf32>
    tpu.vector_store %arg5[%swap3A_140], %swap3A_143 {strides = array<i32>} : memref<512xf32, #tpu.memory_space<vmem>>, vector<16xf32>,
    %eq3A_144 = arith.constant 2 : i32
    %eq3A_145 = vector.broadcast %eq3A_144 : i32 to vector<16xi32>
    %eq3A_146 = arith.cmpi eq, %select_n3A_111, %eq3A_145 : vector<16xi32>
    %eq3A_147 = arith.constant 2 : i32
    %eq3A_148 = vector.broadcast %eq3A_147 : i32 to vector<16xi32>
    %eq3A_149 = arith.cmpi eq, %select_n3A_107, %eq3A_148 : vector<16xi32>
    %jit3A_150 = arith.constant 0.000000e+00 : f32
    %broadcast_in_dim3A_151 = vector.broadcast %jit3A_150 : f32 to vector<16xf32>
    %select_n3A_152 = arith.select %eq3A_149, %div3A_117, %broadcast_in_dim3A_151 : vector<16xi1>, vector<16xf32>
    %select_n3A_153 = arith.select %eq3A_146, %div3A_116, %select_n3A_152 : vector<16xi1>, vector<16xf32>
    %swap3A_154 = arith.constant 128 : index
    %swap3A_155 = tpu.vector_load %arg5[%swap3A_154] {strides = array<i32>} : memref<512xf32, #tpu.memory_space<vmem>>, vector<16xf32>,
    %swap3A_156 = vector.shape_cast %swap3A_155 : vector<16xf32> to vector<16xf32>
    %swap3A_157 = vector.shape_cast %select_n3A_153 : vector<16xf32> to vector<16xf32>
    tpu.vector_store %arg5[%swap3A_154], %swap3A_157 {strides = array<i32>} : memref<512xf32, #tpu.memory_space<vmem>>, vector<16xf32>,
    %eq3A_158 = arith.constant 3 : i32
    %eq3A_159 = vector.broadcast %eq3A_158 : i32 to vector<16xi32>
    %eq3A_160 = arith.cmpi eq, %select_n3A_111, %eq3A_159 : vector<16xi32>
    %eq3A_161 = arith.constant 3 : i32
    %eq3A_162 = vector.broadcast %eq3A_161 : i32 to vector<16xi32>
    %eq3A_163 = arith.cmpi eq, %select_n3A_107, %eq3A_162 : vector<16xi32>
    %jit3A_164 = arith.constant 0.000000e+00 : f32
    %broadcast_in_dim3A_165 = vector.broadcast %jit3A_164 : f32 to vector<16xf32>
    %select_n3A_166 = arith.select %eq3A_163, %div3A_117, %broadcast_in_dim3A_165 : vector<16xi1>, vector<16xf32>
    %select_n3A_167 = arith.select %eq3A_160, %div3A_116, %select_n3A_166 : vector<16xi1>, vector<16xf32>
    %swap3A_168 = arith.constant 192 : index
    %swap3A_169 = tpu.vector_load %arg5[%swap3A_168] {strides = array<i32>} : memref<512xf32, #tpu.memory_space<vmem>>, vector<16xf32>,
    %swap3A_170 = vector.shape_cast %swap3A_169 : vector<16xf32> to vector<16xf32>
    %swap3A_171 = vector.shape_cast %select_n3A_167 : vector<16xf32> to vector<16xf32>
    tpu.vector_store %arg5[%swap3A_168], %swap3A_171 {strides = array<i32>} : memref<512xf32, #tpu.memory_space<vmem>>, vector<16xf32>,
    %eq3A_172 = arith.constant 4 : i32
    %eq3A_173 = vector.broadcast %eq3A_172 : i32 to vector<16xi32>
    %eq3A_174 = arith.cmpi eq, %select_n3A_111, %eq3A_173 : vector<16xi32>
    %eq3A_175 = arith.constant 4 : i32
    %eq3A_176 = vector.broadcast %eq3A_175 : i32 to vector<16xi32>
    %eq3A_177 = arith.cmpi eq, %select_n3A_107, %eq3A_176 : vector<16xi32>
    %jit3A_178 = arith.constant 0.000000e+00 : f32
    %broadcast_in_dim3A_179 = vector.broadcast %jit3A_178 : f32 to vector<16xf32>
    %select_n3A_180 = arith.select %eq3A_177, %div3A_117, %broadcast_in_dim3A_179 : vector<16xi1>, vector<16xf32>
    %select_n3A_181 = arith.select %eq3A_174, %div3A_116, %select_n3A_180 : vector<16xi1>, vector<16xf32>
    %swap3A_182 = arith.constant 256 : index
    %swap3A_183 = tpu.vector_load %arg5[%swap3A_182] {strides = array<i32>} : memref<512xf32, #tpu.memory_space<vmem>>, vector<16xf32>,
    %swap3A_184 = vector.shape_cast %swap3A_183 : vector<16xf32> to vector<16xf32>
    %swap3A_185 = vector.shape_cast %select_n3A_181 : vector<16xf32> to vector<16xf32>
    tpu.vector_store %arg5[%swap3A_182], %swap3A_185 {strides = array<i32>} : memref<512xf32, #tpu.memory_space<vmem>>, vector<16xf32>,
    %eq3A_186 = arith.constant 5 : i32
    %eq3A_187 = vector.broadcast %eq3A_186 : i32 to vector<16xi32>
    %eq3A_188 = arith.cmpi eq, %select_n3A_111, %eq3A_187 : vector<16xi32>
    %eq3A_189 = arith.constant 5 : i32
    %eq3A_190 = vector.broadcast %eq3A_189 : i32 to vector<16xi32>
    %eq3A_191 = arith.cmpi eq, %select_n3A_107, %eq3A_190 : vector<16xi32>
    %jit3A_192 = arith.constant 0.000000e+00 : f32
    %broadcast_in_dim3A_193 = vector.broadcast %jit3A_192 : f32 to vector<16xf32>
    %select_n3A_194 = arith.select %eq3A_191, %div3A_117, %broadcast_in_dim3A_193 : vector<16xi1>, vector<16xf32>
    %select_n3A_195 = arith.select %eq3A_188, %div3A_116, %select_n3A_194 : vector<16xi1>, vector<16xf32>
    %swap3A_196 = arith.constant 320 : index
    %swap3A_197 = tpu.vector_load %arg5[%swap3A_196] {strides = array<i32>} : memref<512xf32, #tpu.memory_space<vmem>>, vector<16xf32>,
    %swap3A_198 = vector.shape_cast %swap3A_197 : vector<16xf32> to vector<16xf32>
    %swap3A_199 = vector.shape_cast %select_n3A_195 : vector<16xf32> to vector<16xf32>
    tpu.vector_store %arg5[%swap3A_196], %swap3A_199 {strides = array<i32>} : memref<512xf32, #tpu.memory_space<vmem>>, vector<16xf32>,
    %eq3A_200 = arith.constant 6 : i32
    %eq3A_201 = vector.broadcast %eq3A_200 : i32 to vector<16xi32>
    %eq3A_202 = arith.cmpi eq, %select_n3A_111, %eq3A_201 : vector<16xi32>
    %eq3A_203 = arith.constant 6 : i32
    %eq3A_204 = vector.broadcast %eq3A_203 : i32 to vector<16xi32>
    %eq3A_205 = arith.cmpi eq, %select_n3A_107, %eq3A_204 : vector<16xi32>
    %jit3A_206 = arith.constant 0.000000e+00 : f32
    %broadcast_in_dim3A_207 = vector.broadcast %jit3A_206 : f32 to vector<16xf32>
    %select_n3A_208 = arith.select %eq3A_205, %div3A_117, %broadcast_in_dim3A_207 : vector<16xi1>, vector<16xf32>
    %select_n3A_209 = arith.select %eq3A_202, %div3A_116, %select_n3A_208 : vector<16xi1>, vector<16xf32>
    %swap3A_210 = arith.constant 384 : index
    %swap3A_211 = tpu.vector_load %arg5[%swap3A_210] {strides = array<i32>} : memref<512xf32, #tpu.memory_space<vmem>>, vector<16xf32>,
    %swap3A_212 = vector.shape_cast %swap3A_211 : vector<16xf32> to vector<16xf32>
    %swap3A_213 = vector.shape_cast %select_n3A_209 : vector<16xf32> to vector<16xf32>
    tpu.vector_store %arg5[%swap3A_210], %swap3A_213 {strides = array<i32>} : memref<512xf32, #tpu.memory_space<vmem>>, vector<16xf32>,
    %eq3A_214 = arith.constant 7 : i32
    %eq3A_215 = vector.broadcast %eq3A_214 : i32 to vector<16xi32>
    %eq3A_216 = arith.cmpi eq, %select_n3A_111, %eq3A_215 : vector<16xi32>
    %eq3A_217 = arith.constant 7 : i32
    %eq3A_218 = vector.broadcast %eq3A_217 : i32 to vector<16xi32>
    %eq3A_219 = arith.cmpi eq, %select_n3A_107, %eq3A_218 : vector<16xi32>
    %jit3A_220 = arith.constant 0.000000e+00 : f32
    %broadcast_in_dim3A_221 = vector.broadcast %jit3A_220 : f32 to vector<16xf32>
    %select_n3A_222 = arith.select %eq3A_219, %div3A_117, %broadcast_in_dim3A_221 : vector<16xi1>, vector<16xf32>
    %select_n3A_223 = arith.select %eq3A_216, %div3A_116, %select_n3A_222 : vector<16xi1>, vector<16xf32>
    %swap3A_224 = arith.constant 448 : index
    %swap3A_225 = tpu.vector_load %arg5[%swap3A_224] {strides = array<i32>} : memref<512xf32, #tpu.memory_space<vmem>>, vector<16xf32>,
    %swap3A_226 = vector.shape_cast %swap3A_225 : vector<16xf32> to vector<16xf32>
    %swap3A_227 = vector.shape_cast %select_n3A_223 : vector<16xf32> to vector<16xf32>
    tpu.vector_store %arg5[%swap3A_224], %swap3A_227 {strides = array<i32>} : memref<512xf32, #tpu.memory_space<vmem>>, vector<16xf32>,
    %get3A_228 = arith.constant 16 : index
    %get3A_229 = tpu.vector_load %arg4[%get3A_228] {strides = array<i32>} : memref<512xf32, #tpu.memory_space<vmem>>, vector<16xf32>,
    %get3A_230 = vector.shape_cast %get3A_229 : vector<16xf32> to vector<16xf32>
    %get3A_231 = arith.constant 80 : index
    %get3A_232 = tpu.vector_load %arg4[%get3A_231] {strides = array<i32>} : memref<512xf32, #tpu.memory_space<vmem>>, vector<16xf32>,
    %get3A_233 = vector.shape_cast %get3A_232 : vector<16xf32> to vector<16xf32>
    %get3A_234 = arith.constant 144 : index
    %get3A_235 = tpu.vector_load %arg4[%get3A_234] {strides = array<i32>} : memref<512xf32, #tpu.memory_space<vmem>>, vector<16xf32>,
    %get3A_236 = vector.shape_cast %get3A_235 : vector<16xf32> to vector<16xf32>
    %get3A_237 = arith.constant 208 : index
    %get3A_238 = tpu.vector_load %arg4[%get3A_237] {strides = array<i32>} : memref<512xf32, #tpu.memory_space<vmem>>, vector<16xf32>,
    %get3A_239 = vector.shape_cast %get3A_238 : vector<16xf32> to vector<16xf32>
    %get3A_240 = arith.constant 272 : index
    %get3A_241 = tpu.vector_load %arg4[%get3A_240] {strides = array<i32>} : memref<512xf32, #tpu.memory_space<vmem>>, vector<16xf32>,
    %get3A_242 = vector.shape_cast %get3A_241 : vector<16xf32> to vector<16xf32>
    %get3A_243 = arith.constant 336 : index
    %get3A_244 = tpu.vector_load %arg4[%get3A_243] {strides = array<i32>} : memref<512xf32, #tpu.memory_space<vmem>>, vector<16xf32>,
    %get3A_245 = vector.shape_cast %get3A_244 : vector<16xf32> to vector<16xf32>
    %get3A_246 = arith.constant 400 : index
    %get3A_247 = tpu.vector_load %arg4[%get3A_246] {strides = array<i32>} : memref<512xf32, #tpu.memory_space<vmem>>, vector<16xf32>,
    %get3A_248 = vector.shape_cast %get3A_247 : vector<16xf32> to vector<16xf32>
    %get3A_249 = arith.constant 464 : index
    %get3A_250 = tpu.vector_load %arg4[%get3A_249] {strides = array<i32>} : memref<512xf32, #tpu.memory_space<vmem>>, vector<16xf32>,
    %get3A_251 = vector.shape_cast %get3A_250 : vector<16xf32> to vector<16xf32>
    %broadcast_in_dim3A_252 = arith.constant 0 : i32
    %broadcast_in_dim3A_253 = vector.broadcast %broadcast_in_dim3A_252 : i32 to vector<16xi32>
    %broadcast_in_dim3A_254 = arith.constant 0xFF800000 : f32
    %broadcast_in_dim3A_255 = vector.broadcast %broadcast_in_dim3A_254 : f32 to vector<16xf32>
    %broadcast_in_dim3A_256 = arith.constant -1 : i32
    %broadcast_in_dim3A_257 = vector.broadcast %broadcast_in_dim3A_256 : i32 to vector<16xi32>
    %gt3A_258 = arith.cmpf ogt, %get3A_233, %get3A_230 : vector<16xf32>
    %gt3A_259 = arith.cmpf ogt, %get3A_233, %broadcast_in_dim3A_255 : vector<16xf32>
    %select_n3A_260 = arith.select %gt3A_259, %get3A_233, %broadcast_in_dim3A_255 : vector<16xi1>, vector<16xf32>
    %select_n3A_261 = arith.select %gt3A_258, %get3A_230, %select_n3A_260 : vector<16xi1>, vector<16xf32>
    %jit3A_262 = arith.constant 1 : i32
    %broadcast_in_dim3A_263 = vector.broadcast %jit3A_262 : i32 to vector<16xi32>
    %select_n3A_264 = arith.select %gt3A_259, %broadcast_in_dim3A_263, %broadcast_in_dim3A_257 : vector<16xi1>, vector<16xi32>
    %select_n3A_265 = arith.select %gt3A_258, %broadcast_in_dim3A_253, %select_n3A_264 : vector<16xi1>, vector<16xi32>
    %select_n3A_266 = arith.select %gt3A_258, %get3A_233, %get3A_230 : vector<16xi1>, vector<16xf32>
    %jit3A_267 = arith.constant 1 : i32
    %broadcast_in_dim3A_268 = vector.broadcast %jit3A_267 : i32 to vector<16xi32>
    %select_n3A_269 = arith.select %gt3A_258, %broadcast_in_dim3A_268, %broadcast_in_dim3A_253 : vector<16xi1>, vector<16xi32>
    %gt3A_270 = arith.cmpf ogt, %get3A_236, %select_n3A_266 : vector<16xf32>
    %gt3A_271 = arith.cmpf ogt, %get3A_236, %select_n3A_261 : vector<16xf32>
    %select_n3A_272 = arith.select %gt3A_271, %get3A_236, %select_n3A_261 : vector<16xi1>, vector<16xf32>
    %select_n3A_273 = arith.select %gt3A_270, %select_n3A_266, %select_n3A_272 : vector<16xi1>, vector<16xf32>
    %jit3A_274 = arith.constant 2 : i32
    %broadcast_in_dim3A_275 = vector.broadcast %jit3A_274 : i32 to vector<16xi32>
    %select_n3A_276 = arith.select %gt3A_271, %broadcast_in_dim3A_275, %select_n3A_265 : vector<16xi1>, vector<16xi32>
    %select_n3A_277 = arith.select %gt3A_270, %select_n3A_269, %select_n3A_276 : vector<16xi1>, vector<16xi32>
    %select_n3A_278 = arith.select %gt3A_270, %get3A_236, %select_n3A_266 : vector<16xi1>, vector<16xf32>
    %jit3A_279 = arith.constant 2 : i32
    %broadcast_in_dim3A_280 = vector.broadcast %jit3A_279 : i32 to vector<16xi32>
    %select_n3A_281 = arith.select %gt3A_270, %broadcast_in_dim3A_280, %select_n3A_269 : vector<16xi1>, vector<16xi32>
    %gt3A_282 = arith.cmpf ogt, %get3A_239, %select_n3A_278 : vector<16xf32>
    %gt3A_283 = arith.cmpf ogt, %get3A_239, %select_n3A_273 : vector<16xf32>
    %select_n3A_284 = arith.select %gt3A_283, %get3A_239, %select_n3A_273 : vector<16xi1>, vector<16xf32>
    %select_n3A_285 = arith.select %gt3A_282, %select_n3A_278, %select_n3A_284 : vector<16xi1>, vector<16xf32>
    %jit3A_286 = arith.constant 3 : i32
    %broadcast_in_dim3A_287 = vector.broadcast %jit3A_286 : i32 to vector<16xi32>
    %select_n3A_288 = arith.select %gt3A_283, %broadcast_in_dim3A_287, %select_n3A_277 : vector<16xi1>, vector<16xi32>
    %select_n3A_289 = arith.select %gt3A_282, %select_n3A_281, %select_n3A_288 : vector<16xi1>, vector<16xi32>
    %select_n3A_290 = arith.select %gt3A_282, %get3A_239, %select_n3A_278 : vector<16xi1>, vector<16xf32>
    %jit3A_291 = arith.constant 3 : i32
    %broadcast_in_dim3A_292 = vector.broadcast %jit3A_291 : i32 to vector<16xi32>
    %select_n3A_293 = arith.select %gt3A_282, %broadcast_in_dim3A_292, %select_n3A_281 : vector<16xi1>, vector<16xi32>
    %gt3A_294 = arith.cmpf ogt, %get3A_242, %select_n3A_290 : vector<16xf32>
    %gt3A_295 = arith.cmpf ogt, %get3A_242, %select_n3A_285 : vector<16xf32>
    %select_n3A_296 = arith.select %gt3A_295, %get3A_242, %select_n3A_285 : vector<16xi1>, vector<16xf32>
    %select_n3A_297 = arith.select %gt3A_294, %select_n3A_290, %select_n3A_296 : vector<16xi1>, vector<16xf32>
    %jit3A_298 = arith.constant 4 : i32
    %broadcast_in_dim3A_299 = vector.broadcast %jit3A_298 : i32 to vector<16xi32>
    %select_n3A_300 = arith.select %gt3A_295, %broadcast_in_dim3A_299, %select_n3A_289 : vector<16xi1>, vector<16xi32>
    %select_n3A_301 = arith.select %gt3A_294, %select_n3A_293, %select_n3A_300 : vector<16xi1>, vector<16xi32>
    %select_n3A_302 = arith.select %gt3A_294, %get3A_242, %select_n3A_290 : vector<16xi1>, vector<16xf32>
    %jit3A_303 = arith.constant 4 : i32
    %broadcast_in_dim3A_304 = vector.broadcast %jit3A_303 : i32 to vector<16xi32>
    %select_n3A_305 = arith.select %gt3A_294, %broadcast_in_dim3A_304, %select_n3A_293 : vector<16xi1>, vector<16xi32>
    %gt3A_306 = arith.cmpf ogt, %get3A_245, %select_n3A_302 : vector<16xf32>
    %gt3A_307 = arith.cmpf ogt, %get3A_245, %select_n3A_297 : vector<16xf32>
    %select_n3A_308 = arith.select %gt3A_307, %get3A_245, %select_n3A_297 : vector<16xi1>, vector<16xf32>
    %select_n3A_309 = arith.select %gt3A_306, %select_n3A_302, %select_n3A_308 : vector<16xi1>, vector<16xf32>
    %jit3A_310 = arith.constant 5 : i32
    %broadcast_in_dim3A_311 = vector.broadcast %jit3A_310 : i32 to vector<16xi32>
    %select_n3A_312 = arith.select %gt3A_307, %broadcast_in_dim3A_311, %select_n3A_301 : vector<16xi1>, vector<16xi32>
    %select_n3A_313 = arith.select %gt3A_306, %select_n3A_305, %select_n3A_312 : vector<16xi1>, vector<16xi32>
    %select_n3A_314 = arith.select %gt3A_306, %get3A_245, %select_n3A_302 : vector<16xi1>, vector<16xf32>
    %jit3A_315 = arith.constant 5 : i32
    %broadcast_in_dim3A_316 = vector.broadcast %jit3A_315 : i32 to vector<16xi32>
    %select_n3A_317 = arith.select %gt3A_306, %broadcast_in_dim3A_316, %select_n3A_305 : vector<16xi1>, vector<16xi32>
    %gt3A_318 = arith.cmpf ogt, %get3A_248, %select_n3A_314 : vector<16xf32>
    %gt3A_319 = arith.cmpf ogt, %get3A_248, %select_n3A_309 : vector<16xf32>
    %select_n3A_320 = arith.select %gt3A_319, %get3A_248, %select_n3A_309 : vector<16xi1>, vector<16xf32>
    %select_n3A_321 = arith.select %gt3A_318, %select_n3A_314, %select_n3A_320 : vector<16xi1>, vector<16xf32>
    %jit3A_322 = arith.constant 6 : i32
    %broadcast_in_dim3A_323 = vector.broadcast %jit3A_322 : i32 to vector<16xi32>
    %select_n3A_324 = arith.select %gt3A_319, %broadcast_in_dim3A_323, %select_n3A_313 : vector<16xi1>, vector<16xi32>
    %select_n3A_325 = arith.select %gt3A_318, %select_n3A_317, %select_n3A_324 : vector<16xi1>, vector<16xi32>
    %select_n3A_326 = arith.select %gt3A_318, %get3A_248, %select_n3A_314 : vector<16xi1>, vector<16xf32>
    %jit3A_327 = arith.constant 6 : i32
    %broadcast_in_dim3A_328 = vector.broadcast %jit3A_327 : i32 to vector<16xi32>
    %select_n3A_329 = arith.select %gt3A_318, %broadcast_in_dim3A_328, %select_n3A_317 : vector<16xi1>, vector<16xi32>
    %gt3A_330 = arith.cmpf ogt, %get3A_251, %select_n3A_326 : vector<16xf32>
    %gt3A_331 = arith.cmpf ogt, %get3A_251, %select_n3A_321 : vector<16xf32>
    %select_n3A_332 = arith.select %gt3A_331, %get3A_251, %select_n3A_321 : vector<16xi1>, vector<16xf32>
    %select_n3A_333 = arith.select %gt3A_330, %select_n3A_326, %select_n3A_332 : vector<16xi1>, vector<16xf32>
    %jit3A_334 = arith.constant 7 : i32
    %broadcast_in_dim3A_335 = vector.broadcast %jit3A_334 : i32 to vector<16xi32>
    %select_n3A_336 = arith.select %gt3A_331, %broadcast_in_dim3A_335, %select_n3A_325 : vector<16xi1>, vector<16xi32>
    %select_n3A_337 = arith.select %gt3A_330, %select_n3A_329, %select_n3A_336 : vector<16xi1>, vector<16xi32>
    %select_n3A_338 = arith.select %gt3A_330, %get3A_251, %select_n3A_326 : vector<16xi1>, vector<16xf32>
    %jit3A_339 = arith.constant 7 : i32
    %broadcast_in_dim3A_340 = vector.broadcast %jit3A_339 : i32 to vector<16xi32>
    %select_n3A_341 = arith.select %gt3A_330, %broadcast_in_dim3A_340, %select_n3A_329 : vector<16xi1>, vector<16xi32>
    %sub3A_342 = arith.subf %select_n3A_333, %select_n3A_338 : vector<16xf32>
    %exp3A_343 = math.exp %sub3A_342 : vector<16xf32>
    %add3A_344 = arith.constant 1.000000e+00 : f32
    %add3A_345 = vector.broadcast %add3A_344 : f32 to vector<16xf32>
    %add3A_346 = arith.addf %add3A_345, %exp3A_343 : vector<16xf32>
    %div3A_347 = arith.constant 1.000000e+00 : f32
    %div3A_348 = vector.broadcast %div3A_347 : f32 to vector<16xf32>
    %div3A_349 = arith.divf %div3A_348, %add3A_346 : vector<16xf32>
    %div3A_350 = arith.divf %exp3A_343, %add3A_346 : vector<16xf32>
    %eq3A_351 = arith.constant 0 : i32
    %eq3A_352 = vector.broadcast %eq3A_351 : i32 to vector<16xi32>
    %eq3A_353 = arith.cmpi eq, %select_n3A_341, %eq3A_352 : vector<16xi32>
    %eq3A_354 = arith.constant 0 : i32
    %eq3A_355 = vector.broadcast %eq3A_354 : i32 to vector<16xi32>
    %eq3A_356 = arith.cmpi eq, %select_n3A_337, %eq3A_355 : vector<16xi32>
    %jit3A_357 = arith.constant 0.000000e+00 : f32
    %broadcast_in_dim3A_358 = vector.broadcast %jit3A_357 : f32 to vector<16xf32>
    %select_n3A_359 = arith.select %eq3A_356, %div3A_350, %broadcast_in_dim3A_358 : vector<16xi1>, vector<16xf32>
    %select_n3A_360 = arith.select %eq3A_353, %div3A_349, %select_n3A_359 : vector<16xi1>, vector<16xf32>
    %swap3A_361 = arith.constant 16 : index
    %swap3A_362 = tpu.vector_load %arg5[%swap3A_361] {strides = array<i32>} : memref<512xf32, #tpu.memory_space<vmem>>, vector<16xf32>,
    %swap3A_363 = vector.shape_cast %swap3A_362 : vector<16xf32> to vector<16xf32>
    %swap3A_364 = vector.shape_cast %select_n3A_360 : vector<16xf32> to vector<16xf32>
    tpu.vector_store %arg5[%swap3A_361], %swap3A_364 {strides = array<i32>} : memref<512xf32, #tpu.memory_space<vmem>>, vector<16xf32>,
    %eq3A_365 = arith.constant 1 : i32
    %eq3A_366 = vector.broadcast %eq3A_365 : i32 to vector<16xi32>
    %eq3A_367 = arith.cmpi eq, %select_n3A_341, %eq3A_366 : vector<16xi32>
    %eq3A_368 = arith.constant 1 : i32
    %eq3A_369 = vector.broadcast %eq3A_368 : i32 to vector<16xi32>
    %eq3A_370 = arith.cmpi eq, %select_n3A_337, %eq3A_369 : vector<16xi32>
    %jit3A_371 = arith.constant 0.000000e+00 : f32
    %broadcast_in_dim3A_372 = vector.broadcast %jit3A_371 : f32 to vector<16xf32>
    %select_n3A_373 = arith.select %eq3A_370, %div3A_350, %broadcast_in_dim3A_372 : vector<16xi1>, vector<16xf32>
    %select_n3A_374 = arith.select %eq3A_367, %div3A_349, %select_n3A_373 : vector<16xi1>, vector<16xf32>
    %swap3A_375 = arith.constant 80 : index
    %swap3A_376 = tpu.vector_load %arg5[%swap3A_375] {strides = array<i32>} : memref<512xf32, #tpu.memory_space<vmem>>, vector<16xf32>,
    %swap3A_377 = vector.shape_cast %swap3A_376 : vector<16xf32> to vector<16xf32>
    %swap3A_378 = vector.shape_cast %select_n3A_374 : vector<16xf32> to vector<16xf32>
    tpu.vector_store %arg5[%swap3A_375], %swap3A_378 {strides = array<i32>} : memref<512xf32, #tpu.memory_space<vmem>>, vector<16xf32>,
    %eq3A_379 = arith.constant 2 : i32
    %eq3A_380 = vector.broadcast %eq3A_379 : i32 to vector<16xi32>
    %eq3A_381 = arith.cmpi eq, %select_n3A_341, %eq3A_380 : vector<16xi32>
    %eq3A_382 = arith.constant 2 : i32
    %eq3A_383 = vector.broadcast %eq3A_382 : i32 to vector<16xi32>
    %eq3A_384 = arith.cmpi eq, %select_n3A_337, %eq3A_383 : vector<16xi32>
    %jit3A_385 = arith.constant 0.000000e+00 : f32
    %broadcast_in_dim3A_386 = vector.broadcast %jit3A_385 : f32 to vector<16xf32>
    %select_n3A_387 = arith.select %eq3A_384, %div3A_350, %broadcast_in_dim3A_386 : vector<16xi1>, vector<16xf32>
    %select_n3A_388 = arith.select %eq3A_381, %div3A_349, %select_n3A_387 : vector<16xi1>, vector<16xf32>
    %swap3A_389 = arith.constant 144 : index
    %swap3A_390 = tpu.vector_load %arg5[%swap3A_389] {strides = array<i32>} : memref<512xf32, #tpu.memory_space<vmem>>, vector<16xf32>,
    %swap3A_391 = vector.shape_cast %swap3A_390 : vector<16xf32> to vector<16xf32>
    %swap3A_392 = vector.shape_cast %select_n3A_388 : vector<16xf32> to vector<16xf32>
    tpu.vector_store %arg5[%swap3A_389], %swap3A_392 {strides = array<i32>} : memref<512xf32, #tpu.memory_space<vmem>>, vector<16xf32>,
    %eq3A_393 = arith.constant 3 : i32
    %eq3A_394 = vector.broadcast %eq3A_393 : i32 to vector<16xi32>
    %eq3A_395 = arith.cmpi eq, %select_n3A_341, %eq3A_394 : vector<16xi32>
    %eq3A_396 = arith.constant 3 : i32
    %eq3A_397 = vector.broadcast %eq3A_396 : i32 to vector<16xi32>
    %eq3A_398 = arith.cmpi eq, %select_n3A_337, %eq3A_397 : vector<16xi32>
    %jit3A_399 = arith.constant 0.000000e+00 : f32
    %broadcast_in_dim3A_400 = vector.broadcast %jit3A_399 : f32 to vector<16xf32>
    %select_n3A_401 = arith.select %eq3A_398, %div3A_350, %broadcast_in_dim3A_400 : vector<16xi1>, vector<16xf32>
    %select_n3A_402 = arith.select %eq3A_395, %div3A_349, %select_n3A_401 : vector<16xi1>, vector<16xf32>
    %swap3A_403 = arith.constant 208 : index
    %swap3A_404 = tpu.vector_load %arg5[%swap3A_403] {strides = array<i32>} : memref<512xf32, #tpu.memory_space<vmem>>, vector<16xf32>,
    %swap3A_405 = vector.shape_cast %swap3A_404 : vector<16xf32> to vector<16xf32>
    %swap3A_406 = vector.shape_cast %select_n3A_402 : vector<16xf32> to vector<16xf32>
    tpu.vector_store %arg5[%swap3A_403], %swap3A_406 {strides = array<i32>} : memref<512xf32, #tpu.memory_space<vmem>>, vector<16xf32>,
    %eq3A_407 = arith.constant 4 : i32
    %eq3A_408 = vector.broadcast %eq3A_407 : i32 to vector<16xi32>
    %eq3A_409 = arith.cmpi eq, %select_n3A_341, %eq3A_408 : vector<16xi32>
    %eq3A_410 = arith.constant 4 : i32
    %eq3A_411 = vector.broadcast %eq3A_410 : i32 to vector<16xi32>
    %eq3A_412 = arith.cmpi eq, %select_n3A_337, %eq3A_411 : vector<16xi32>
    %jit3A_413 = arith.constant 0.000000e+00 : f32
    %broadcast_in_dim3A_414 = vector.broadcast %jit3A_413 : f32 to vector<16xf32>
    %select_n3A_415 = arith.select %eq3A_412, %div3A_350, %broadcast_in_dim3A_414 : vector<16xi1>, vector<16xf32>
    %select_n3A_416 = arith.select %eq3A_409, %div3A_349, %select_n3A_415 : vector<16xi1>, vector<16xf32>
    %swap3A_417 = arith.constant 272 : index
    %swap3A_418 = tpu.vector_load %arg5[%swap3A_417] {strides = array<i32>} : memref<512xf32, #tpu.memory_space<vmem>>, vector<16xf32>,
    %swap3A_419 = vector.shape_cast %swap3A_418 : vector<16xf32> to vector<16xf32>
    %swap3A_420 = vector.shape_cast %select_n3A_416 : vector<16xf32> to vector<16xf32>
    tpu.vector_store %arg5[%swap3A_417], %swap3A_420 {strides = array<i32>} : memref<512xf32, #tpu.memory_space<vmem>>, vector<16xf32>,
    %eq3A_421 = arith.constant 5 : i32
    %eq3A_422 = vector.broadcast %eq3A_421 : i32 to vector<16xi32>
    %eq3A_423 = arith.cmpi eq, %select_n3A_341, %eq3A_422 : vector<16xi32>
    %eq3A_424 = arith.constant 5 : i32
    %eq3A_425 = vector.broadcast %eq3A_424 : i32 to vector<16xi32>
    %eq3A_426 = arith.cmpi eq, %select_n3A_337, %eq3A_425 : vector<16xi32>
    %jit3A_427 = arith.constant 0.000000e+00 : f32
    %broadcast_in_dim3A_428 = vector.broadcast %jit3A_427 : f32 to vector<16xf32>
    %select_n3A_429 = arith.select %eq3A_426, %div3A_350, %broadcast_in_dim3A_428 : vector<16xi1>, vector<16xf32>
    %select_n3A_430 = arith.select %eq3A_423, %div3A_349, %select_n3A_429 : vector<16xi1>, vector<16xf32>
    %swap3A_431 = arith.constant 336 : index
    %swap3A_432 = tpu.vector_load %arg5[%swap3A_431] {strides = array<i32>} : memref<512xf32, #tpu.memory_space<vmem>>, vector<16xf32>,
    %swap3A_433 = vector.shape_cast %swap3A_432 : vector<16xf32> to vector<16xf32>
    %swap3A_434 = vector.shape_cast %select_n3A_430 : vector<16xf32> to vector<16xf32>
    tpu.vector_store %arg5[%swap3A_431], %swap3A_434 {strides = array<i32>} : memref<512xf32, #tpu.memory_space<vmem>>, vector<16xf32>,
    %eq3A_435 = arith.constant 6 : i32
    %eq3A_436 = vector.broadcast %eq3A_435 : i32 to vector<16xi32>
    %eq3A_437 = arith.cmpi eq, %select_n3A_341, %eq3A_436 : vector<16xi32>
    %eq3A_438 = arith.constant 6 : i32
    %eq3A_439 = vector.broadcast %eq3A_438 : i32 to vector<16xi32>
    %eq3A_440 = arith.cmpi eq, %select_n3A_337, %eq3A_439 : vector<16xi32>
    %jit3A_441 = arith.constant 0.000000e+00 : f32
    %broadcast_in_dim3A_442 = vector.broadcast %jit3A_441 : f32 to vector<16xf32>
    %select_n3A_443 = arith.select %eq3A_440, %div3A_350, %broadcast_in_dim3A_442 : vector<16xi1>, vector<16xf32>
    %select_n3A_444 = arith.select %eq3A_437, %div3A_349, %select_n3A_443 : vector<16xi1>, vector<16xf32>
    %swap3A_445 = arith.constant 400 : index
    %swap3A_446 = tpu.vector_load %arg5[%swap3A_445] {strides = array<i32>} : memref<512xf32, #tpu.memory_space<vmem>>, vector<16xf32>,
    %swap3A_447 = vector.shape_cast %swap3A_446 : vector<16xf32> to vector<16xf32>
    %swap3A_448 = vector.shape_cast %select_n3A_444 : vector<16xf32> to vector<16xf32>
    tpu.vector_store %arg5[%swap3A_445], %swap3A_448 {strides = array<i32>} : memref<512xf32, #tpu.memory_space<vmem>>, vector<16xf32>,
    %eq3A_449 = arith.constant 7 : i32
    %eq3A_450 = vector.broadcast %eq3A_449 : i32 to vector<16xi32>
    %eq3A_451 = arith.cmpi eq, %select_n3A_341, %eq3A_450 : vector<16xi32>
    %eq3A_452 = arith.constant 7 : i32
    %eq3A_453 = vector.broadcast %eq3A_452 : i32 to vector<16xi32>
    %eq3A_454 = arith.cmpi eq, %select_n3A_337, %eq3A_453 : vector<16xi32>
    %jit3A_455 = arith.constant 0.000000e+00 : f32
    %broadcast_in_dim3A_456 = vector.broadcast %jit3A_455 : f32 to vector<16xf32>
    %select_n3A_457 = arith.select %eq3A_454, %div3A_350, %broadcast_in_dim3A_456 : vector<16xi1>, vector<16xf32>
    %select_n3A_458 = arith.select %eq3A_451, %div3A_349, %select_n3A_457 : vector<16xi1>, vector<16xf32>
    %swap3A_459 = arith.constant 464 : index
    %swap3A_460 = tpu.vector_load %arg5[%swap3A_459] {strides = array<i32>} : memref<512xf32, #tpu.memory_space<vmem>>, vector<16xf32>,
    %swap3A_461 = vector.shape_cast %swap3A_460 : vector<16xf32> to vector<16xf32>
    %swap3A_462 = vector.shape_cast %select_n3A_458 : vector<16xf32> to vector<16xf32>
    tpu.vector_store %arg5[%swap3A_459], %swap3A_462 {strides = array<i32>} : memref<512xf32, #tpu.memory_space<vmem>>, vector<16xf32>,
    %get3A_463 = arith.constant 32 : index
    %get3A_464 = tpu.vector_load %arg4[%get3A_463] {strides = array<i32>} : memref<512xf32, #tpu.memory_space<vmem>>, vector<16xf32>,
    %get3A_465 = vector.shape_cast %get3A_464 : vector<16xf32> to vector<16xf32>
    %get3A_466 = arith.constant 96 : index
    %get3A_467 = tpu.vector_load %arg4[%get3A_466] {strides = array<i32>} : memref<512xf32, #tpu.memory_space<vmem>>, vector<16xf32>,
    %get3A_468 = vector.shape_cast %get3A_467 : vector<16xf32> to vector<16xf32>
    %get3A_469 = arith.constant 160 : index
    %get3A_470 = tpu.vector_load %arg4[%get3A_469] {strides = array<i32>} : memref<512xf32, #tpu.memory_space<vmem>>, vector<16xf32>,
    %get3A_471 = vector.shape_cast %get3A_470 : vector<16xf32> to vector<16xf32>
    %get3A_472 = arith.constant 224 : index
    %get3A_473 = tpu.vector_load %arg4[%get3A_472] {strides = array<i32>} : memref<512xf32, #tpu.memory_space<vmem>>, vector<16xf32>,
    %get3A_474 = vector.shape_cast %get3A_473 : vector<16xf32> to vector<16xf32>
    %get3A_475 = arith.constant 288 : index
    %get3A_476 = tpu.vector_load %arg4[%get3A_475] {strides = array<i32>} : memref<512xf32, #tpu.memory_space<vmem>>, vector<16xf32>,
    %get3A_477 = vector.shape_cast %get3A_476 : vector<16xf32> to vector<16xf32>
    %get3A_478 = arith.constant 352 : index
    %get3A_479 = tpu.vector_load %arg4[%get3A_478] {strides = array<i32>} : memref<512xf32, #tpu.memory_space<vmem>>, vector<16xf32>,
    %get3A_480 = vector.shape_cast %get3A_479 : vector<16xf32> to vector<16xf32>
    %get3A_481 = arith.constant 416 : index
    %get3A_482 = tpu.vector_load %arg4[%get3A_481] {strides = array<i32>} : memref<512xf32, #tpu.memory_space<vmem>>, vector<16xf32>,
    %get3A_483 = vector.shape_cast %get3A_482 : vector<16xf32> to vector<16xf32>
    %get3A_484 = arith.constant 480 : index
    %get3A_485 = tpu.vector_load %arg4[%get3A_484] {strides = array<i32>} : memref<512xf32, #tpu.memory_space<vmem>>, vector<16xf32>,
    %get3A_486 = vector.shape_cast %get3A_485 : vector<16xf32> to vector<16xf32>
    %broadcast_in_dim3A_487 = arith.constant 0 : i32
    %broadcast_in_dim3A_488 = vector.broadcast %broadcast_in_dim3A_487 : i32 to vector<16xi32>
    %broadcast_in_dim3A_489 = arith.constant 0xFF800000 : f32
    %broadcast_in_dim3A_490 = vector.broadcast %broadcast_in_dim3A_489 : f32 to vector<16xf32>
    %broadcast_in_dim3A_491 = arith.constant -1 : i32
    %broadcast_in_dim3A_492 = vector.broadcast %broadcast_in_dim3A_491 : i32 to vector<16xi32>
    %gt3A_493 = arith.cmpf ogt, %get3A_468, %get3A_465 : vector<16xf32>
    %gt3A_494 = arith.cmpf ogt, %get3A_468, %broadcast_in_dim3A_490 : vector<16xf32>
    %select_n3A_495 = arith.select %gt3A_494, %get3A_468, %broadcast_in_dim3A_490 : vector<16xi1>, vector<16xf32>
    %select_n3A_496 = arith.select %gt3A_493, %get3A_465, %select_n3A_495 : vector<16xi1>, vector<16xf32>
    %jit3A_497 = arith.constant 1 : i32
    %broadcast_in_dim3A_498 = vector.broadcast %jit3A_497 : i32 to vector<16xi32>
    %select_n3A_499 = arith.select %gt3A_494, %broadcast_in_dim3A_498, %broadcast_in_dim3A_492 : vector<16xi1>, vector<16xi32>
    %select_n3A_500 = arith.select %gt3A_493, %broadcast_in_dim3A_488, %select_n3A_499 : vector<16xi1>, vector<16xi32>
    %select_n3A_501 = arith.select %gt3A_493, %get3A_468, %get3A_465 : vector<16xi1>, vector<16xf32>
    %jit3A_502 = arith.constant 1 : i32
    %broadcast_in_dim3A_503 = vector.broadcast %jit3A_502 : i32 to vector<16xi32>
    %select_n3A_504 = arith.select %gt3A_493, %broadcast_in_dim3A_503, %broadcast_in_dim3A_488 : vector<16xi1>, vector<16xi32>
    %gt3A_505 = arith.cmpf ogt, %get3A_471, %select_n3A_501 : vector<16xf32>
    %gt3A_506 = arith.cmpf ogt, %get3A_471, %select_n3A_496 : vector<16xf32>
    %select_n3A_507 = arith.select %gt3A_506, %get3A_471, %select_n3A_496 : vector<16xi1>, vector<16xf32>
    %select_n3A_508 = arith.select %gt3A_505, %select_n3A_501, %select_n3A_507 : vector<16xi1>, vector<16xf32>
    %jit3A_509 = arith.constant 2 : i32
    %broadcast_in_dim3A_510 = vector.broadcast %jit3A_509 : i32 to vector<16xi32>
    %select_n3A_511 = arith.select %gt3A_506, %broadcast_in_dim3A_510, %select_n3A_500 : vector<16xi1>, vector<16xi32>
    %select_n3A_512 = arith.select %gt3A_505, %select_n3A_504, %select_n3A_511 : vector<16xi1>, vector<16xi32>
    %select_n3A_513 = arith.select %gt3A_505, %get3A_471, %select_n3A_501 : vector<16xi1>, vector<16xf32>
    %jit3A_514 = arith.constant 2 : i32
    %broadcast_in_dim3A_515 = vector.broadcast %jit3A_514 : i32 to vector<16xi32>
    %select_n3A_516 = arith.select %gt3A_505, %broadcast_in_dim3A_515, %select_n3A_504 : vector<16xi1>, vector<16xi32>
    %gt3A_517 = arith.cmpf ogt, %get3A_474, %select_n3A_513 : vector<16xf32>
    %gt3A_518 = arith.cmpf ogt, %get3A_474, %select_n3A_508 : vector<16xf32>
    %select_n3A_519 = arith.select %gt3A_518, %get3A_474, %select_n3A_508 : vector<16xi1>, vector<16xf32>
    %select_n3A_520 = arith.select %gt3A_517, %select_n3A_513, %select_n3A_519 : vector<16xi1>, vector<16xf32>
    %jit3A_521 = arith.constant 3 : i32
    %broadcast_in_dim3A_522 = vector.broadcast %jit3A_521 : i32 to vector<16xi32>
    %select_n3A_523 = arith.select %gt3A_518, %broadcast_in_dim3A_522, %select_n3A_512 : vector<16xi1>, vector<16xi32>
    %select_n3A_524 = arith.select %gt3A_517, %select_n3A_516, %select_n3A_523 : vector<16xi1>, vector<16xi32>
    %select_n3A_525 = arith.select %gt3A_517, %get3A_474, %select_n3A_513 : vector<16xi1>, vector<16xf32>
    %jit3A_526 = arith.constant 3 : i32
    %broadcast_in_dim3A_527 = vector.broadcast %jit3A_526 : i32 to vector<16xi32>
    %select_n3A_528 = arith.select %gt3A_517, %broadcast_in_dim3A_527, %select_n3A_516 : vector<16xi1>, vector<16xi32>
    %gt3A_529 = arith.cmpf ogt, %get3A_477, %select_n3A_525 : vector<16xf32>
    %gt3A_530 = arith.cmpf ogt, %get3A_477, %select_n3A_520 : vector<16xf32>
    %select_n3A_531 = arith.select %gt3A_530, %get3A_477, %select_n3A_520 : vector<16xi1>, vector<16xf32>
    %select_n3A_532 = arith.select %gt3A_529, %select_n3A_525, %select_n3A_531 : vector<16xi1>, vector<16xf32>
    %jit3A_533 = arith.constant 4 : i32
    %broadcast_in_dim3A_534 = vector.broadcast %jit3A_533 : i32 to vector<16xi32>
    %select_n3A_535 = arith.select %gt3A_530, %broadcast_in_dim3A_534, %select_n3A_524 : vector<16xi1>, vector<16xi32>
    %select_n3A_536 = arith.select %gt3A_529, %select_n3A_528, %select_n3A_535 : vector<16xi1>, vector<16xi32>
    %select_n3A_537 = arith.select %gt3A_529, %get3A_477, %select_n3A_525 : vector<16xi1>, vector<16xf32>
    %jit3A_538 = arith.constant 4 : i32
    %broadcast_in_dim3A_539 = vector.broadcast %jit3A_538 : i32 to vector<16xi32>
    %select_n3A_540 = arith.select %gt3A_529, %broadcast_in_dim3A_539, %select_n3A_528 : vector<16xi1>, vector<16xi32>
    %gt3A_541 = arith.cmpf ogt, %get3A_480, %select_n3A_537 : vector<16xf32>
    %gt3A_542 = arith.cmpf ogt, %get3A_480, %select_n3A_532 : vector<16xf32>
    %select_n3A_543 = arith.select %gt3A_542, %get3A_480, %select_n3A_532 : vector<16xi1>, vector<16xf32>
    %select_n3A_544 = arith.select %gt3A_541, %select_n3A_537, %select_n3A_543 : vector<16xi1>, vector<16xf32>
    %jit3A_545 = arith.constant 5 : i32
    %broadcast_in_dim3A_546 = vector.broadcast %jit3A_545 : i32 to vector<16xi32>
    %select_n3A_547 = arith.select %gt3A_542, %broadcast_in_dim3A_546, %select_n3A_536 : vector<16xi1>, vector<16xi32>
    %select_n3A_548 = arith.select %gt3A_541, %select_n3A_540, %select_n3A_547 : vector<16xi1>, vector<16xi32>
    %select_n3A_549 = arith.select %gt3A_541, %get3A_480, %select_n3A_537 : vector<16xi1>, vector<16xf32>
    %jit3A_550 = arith.constant 5 : i32
    %broadcast_in_dim3A_551 = vector.broadcast %jit3A_550 : i32 to vector<16xi32>
    %select_n3A_552 = arith.select %gt3A_541, %broadcast_in_dim3A_551, %select_n3A_540 : vector<16xi1>, vector<16xi32>
    %gt3A_553 = arith.cmpf ogt, %get3A_483, %select_n3A_549 : vector<16xf32>
    %gt3A_554 = arith.cmpf ogt, %get3A_483, %select_n3A_544 : vector<16xf32>
    %select_n3A_555 = arith.select %gt3A_554, %get3A_483, %select_n3A_544 : vector<16xi1>, vector<16xf32>
    %select_n3A_556 = arith.select %gt3A_553, %select_n3A_549, %select_n3A_555 : vector<16xi1>, vector<16xf32>
    %jit3A_557 = arith.constant 6 : i32
    %broadcast_in_dim3A_558 = vector.broadcast %jit3A_557 : i32 to vector<16xi32>
    %select_n3A_559 = arith.select %gt3A_554, %broadcast_in_dim3A_558, %select_n3A_548 : vector<16xi1>, vector<16xi32>
    %select_n3A_560 = arith.select %gt3A_553, %select_n3A_552, %select_n3A_559 : vector<16xi1>, vector<16xi32>
    %select_n3A_561 = arith.select %gt3A_553, %get3A_483, %select_n3A_549 : vector<16xi1>, vector<16xf32>
    %jit3A_562 = arith.constant 6 : i32
    %broadcast_in_dim3A_563 = vector.broadcast %jit3A_562 : i32 to vector<16xi32>
    %select_n3A_564 = arith.select %gt3A_553, %broadcast_in_dim3A_563, %select_n3A_552 : vector<16xi1>, vector<16xi32>
    %gt3A_565 = arith.cmpf ogt, %get3A_486, %select_n3A_561 : vector<16xf32>
    %gt3A_566 = arith.cmpf ogt, %get3A_486, %select_n3A_556 : vector<16xf32>
    %select_n3A_567 = arith.select %gt3A_566, %get3A_486, %select_n3A_556 : vector<16xi1>, vector<16xf32>
    %select_n3A_568 = arith.select %gt3A_565, %select_n3A_561, %select_n3A_567 : vector<16xi1>, vector<16xf32>
    %jit3A_569 = arith.constant 7 : i32
    %broadcast_in_dim3A_570 = vector.broadcast %jit3A_569 : i32 to vector<16xi32>
    %select_n3A_571 = arith.select %gt3A_566, %broadcast_in_dim3A_570, %select_n3A_560 : vector<16xi1>, vector<16xi32>
    %select_n3A_572 = arith.select %gt3A_565, %select_n3A_564, %select_n3A_571 : vector<16xi1>, vector<16xi32>
    %select_n3A_573 = arith.select %gt3A_565, %get3A_486, %select_n3A_561 : vector<16xi1>, vector<16xf32>
    %jit3A_574 = arith.constant 7 : i32
    %broadcast_in_dim3A_575 = vector.broadcast %jit3A_574 : i32 to vector<16xi32>
    %select_n3A_576 = arith.select %gt3A_565, %broadcast_in_dim3A_575, %select_n3A_564 : vector<16xi1>, vector<16xi32>
    %sub3A_577 = arith.subf %select_n3A_568, %select_n3A_573 : vector<16xf32>
    %exp3A_578 = math.exp %sub3A_577 : vector<16xf32>
    %add3A_579 = arith.constant 1.000000e+00 : f32
    %add3A_580 = vector.broadcast %add3A_579 : f32 to vector<16xf32>
    %add3A_581 = arith.addf %add3A_580, %exp3A_578 : vector<16xf32>
    %div3A_582 = arith.constant 1.000000e+00 : f32
    %div3A_583 = vector.broadcast %div3A_582 : f32 to vector<16xf32>
    %div3A_584 = arith.divf %div3A_583, %add3A_581 : vector<16xf32>
    %div3A_585 = arith.divf %exp3A_578, %add3A_581 : vector<16xf32>
    %eq3A_586 = arith.constant 0 : i32
    %eq3A_587 = vector.broadcast %eq3A_586 : i32 to vector<16xi32>
    %eq3A_588 = arith.cmpi eq, %select_n3A_576, %eq3A_587 : vector<16xi32>
    %eq3A_589 = arith.constant 0 : i32
    %eq3A_590 = vector.broadcast %eq3A_589 : i32 to vector<16xi32>
    %eq3A_591 = arith.cmpi eq, %select_n3A_572, %eq3A_590 : vector<16xi32>
    %jit3A_592 = arith.constant 0.000000e+00 : f32
    %broadcast_in_dim3A_593 = vector.broadcast %jit3A_592 : f32 to vector<16xf32>
    %select_n3A_594 = arith.select %eq3A_591, %div3A_585, %broadcast_in_dim3A_593 : vector<16xi1>, vector<16xf32>
    %select_n3A_595 = arith.select %eq3A_588, %div3A_584, %select_n3A_594 : vector<16xi1>, vector<16xf32>
    %swap3A_596 = arith.constant 32 : index
    %swap3A_597 = tpu.vector_load %arg5[%swap3A_596] {strides = array<i32>} : memref<512xf32, #tpu.memory_space<vmem>>, vector<16xf32>,
    %swap3A_598 = vector.shape_cast %swap3A_597 : vector<16xf32> to vector<16xf32>
    %swap3A_599 = vector.shape_cast %select_n3A_595 : vector<16xf32> to vector<16xf32>
    tpu.vector_store %arg5[%swap3A_596], %swap3A_599 {strides = array<i32>} : memref<512xf32, #tpu.memory_space<vmem>>, vector<16xf32>,
    %eq3A_600 = arith.constant 1 : i32
    %eq3A_601 = vector.broadcast %eq3A_600 : i32 to vector<16xi32>
    %eq3A_602 = arith.cmpi eq, %select_n3A_576, %eq3A_601 : vector<16xi32>
    %eq3A_603 = arith.constant 1 : i32
    %eq3A_604 = vector.broadcast %eq3A_603 : i32 to vector<16xi32>
    %eq3A_605 = arith.cmpi eq, %select_n3A_572, %eq3A_604 : vector<16xi32>
    %jit3A_606 = arith.constant 0.000000e+00 : f32
    %broadcast_in_dim3A_607 = vector.broadcast %jit3A_606 : f32 to vector<16xf32>
    %select_n3A_608 = arith.select %eq3A_605, %div3A_585, %broadcast_in_dim3A_607 : vector<16xi1>, vector<16xf32>
    %select_n3A_609 = arith.select %eq3A_602, %div3A_584, %select_n3A_608 : vector<16xi1>, vector<16xf32>
    %swap3A_610 = arith.constant 96 : index
    %swap3A_611 = tpu.vector_load %arg5[%swap3A_610] {strides = array<i32>} : memref<512xf32, #tpu.memory_space<vmem>>, vector<16xf32>,
    %swap3A_612 = vector.shape_cast %swap3A_611 : vector<16xf32> to vector<16xf32>
    %swap3A_613 = vector.shape_cast %select_n3A_609 : vector<16xf32> to vector<16xf32>
    tpu.vector_store %arg5[%swap3A_610], %swap3A_613 {strides = array<i32>} : memref<512xf32, #tpu.memory_space<vmem>>, vector<16xf32>,
    %eq3A_614 = arith.constant 2 : i32
    %eq3A_615 = vector.broadcast %eq3A_614 : i32 to vector<16xi32>
    %eq3A_616 = arith.cmpi eq, %select_n3A_576, %eq3A_615 : vector<16xi32>
    %eq3A_617 = arith.constant 2 : i32
    %eq3A_618 = vector.broadcast %eq3A_617 : i32 to vector<16xi32>
    %eq3A_619 = arith.cmpi eq, %select_n3A_572, %eq3A_618 : vector<16xi32>
    %jit3A_620 = arith.constant 0.000000e+00 : f32
    %broadcast_in_dim3A_621 = vector.broadcast %jit3A_620 : f32 to vector<16xf32>
    %select_n3A_622 = arith.select %eq3A_619, %div3A_585, %broadcast_in_dim3A_621 : vector<16xi1>, vector<16xf32>
    %select_n3A_623 = arith.select %eq3A_616, %div3A_584, %select_n3A_622 : vector<16xi1>, vector<16xf32>
    %swap3A_624 = arith.constant 160 : index
    %swap3A_625 = tpu.vector_load %arg5[%swap3A_624] {strides = array<i32>} : memref<512xf32, #tpu.memory_space<vmem>>, vector<16xf32>,
    %swap3A_626 = vector.shape_cast %swap3A_625 : vector<16xf32> to vector<16xf32>
    %swap3A_627 = vector.shape_cast %select_n3A_623 : vector<16xf32> to vector<16xf32>
    tpu.vector_store %arg5[%swap3A_624], %swap3A_627 {strides = array<i32>} : memref<512xf32, #tpu.memory_space<vmem>>, vector<16xf32>,
    %eq3A_628 = arith.constant 3 : i32
    %eq3A_629 = vector.broadcast %eq3A_628 : i32 to vector<16xi32>
    %eq3A_630 = arith.cmpi eq, %select_n3A_576, %eq3A_629 : vector<16xi32>
    %eq3A_631 = arith.constant 3 : i32
    %eq3A_632 = vector.broadcast %eq3A_631 : i32 to vector<16xi32>
    %eq3A_633 = arith.cmpi eq, %select_n3A_572, %eq3A_632 : vector<16xi32>
    %jit3A_634 = arith.constant 0.000000e+00 : f32
    %broadcast_in_dim3A_635 = vector.broadcast %jit3A_634 : f32 to vector<16xf32>
    %select_n3A_636 = arith.select %eq3A_633, %div3A_585, %broadcast_in_dim3A_635 : vector<16xi1>, vector<16xf32>
    %select_n3A_637 = arith.select %eq3A_630, %div3A_584, %select_n3A_636 : vector<16xi1>, vector<16xf32>
    %swap3A_638 = arith.constant 224 : index
    %swap3A_639 = tpu.vector_load %arg5[%swap3A_638] {strides = array<i32>} : memref<512xf32, #tpu.memory_space<vmem>>, vector<16xf32>,
    %swap3A_640 = vector.shape_cast %swap3A_639 : vector<16xf32> to vector<16xf32>
    %swap3A_641 = vector.shape_cast %select_n3A_637 : vector<16xf32> to vector<16xf32>
    tpu.vector_store %arg5[%swap3A_638], %swap3A_641 {strides = array<i32>} : memref<512xf32, #tpu.memory_space<vmem>>, vector<16xf32>,
    %eq3A_642 = arith.constant 4 : i32
    %eq3A_643 = vector.broadcast %eq3A_642 : i32 to vector<16xi32>
    %eq3A_644 = arith.cmpi eq, %select_n3A_576, %eq3A_643 : vector<16xi32>
    %eq3A_645 = arith.constant 4 : i32
    %eq3A_646 = vector.broadcast %eq3A_645 : i32 to vector<16xi32>
    %eq3A_647 = arith.cmpi eq, %select_n3A_572, %eq3A_646 : vector<16xi32>
    %jit3A_648 = arith.constant 0.000000e+00 : f32
    %broadcast_in_dim3A_649 = vector.broadcast %jit3A_648 : f32 to vector<16xf32>
    %select_n3A_650 = arith.select %eq3A_647, %div3A_585, %broadcast_in_dim3A_649 : vector<16xi1>, vector<16xf32>
    %select_n3A_651 = arith.select %eq3A_644, %div3A_584, %select_n3A_650 : vector<16xi1>, vector<16xf32>
    %swap3A_652 = arith.constant 288 : index
    %swap3A_653 = tpu.vector_load %arg5[%swap3A_652] {strides = array<i32>} : memref<512xf32, #tpu.memory_space<vmem>>, vector<16xf32>,
    %swap3A_654 = vector.shape_cast %swap3A_653 : vector<16xf32> to vector<16xf32>
    %swap3A_655 = vector.shape_cast %select_n3A_651 : vector<16xf32> to vector<16xf32>
    tpu.vector_store %arg5[%swap3A_652], %swap3A_655 {strides = array<i32>} : memref<512xf32, #tpu.memory_space<vmem>>, vector<16xf32>,
    %eq3A_656 = arith.constant 5 : i32
    %eq3A_657 = vector.broadcast %eq3A_656 : i32 to vector<16xi32>
    %eq3A_658 = arith.cmpi eq, %select_n3A_576, %eq3A_657 : vector<16xi32>
    %eq3A_659 = arith.constant 5 : i32
    %eq3A_660 = vector.broadcast %eq3A_659 : i32 to vector<16xi32>
    %eq3A_661 = arith.cmpi eq, %select_n3A_572, %eq3A_660 : vector<16xi32>
    %jit3A_662 = arith.constant 0.000000e+00 : f32
    %broadcast_in_dim3A_663 = vector.broadcast %jit3A_662 : f32 to vector<16xf32>
    %select_n3A_664 = arith.select %eq3A_661, %div3A_585, %broadcast_in_dim3A_663 : vector<16xi1>, vector<16xf32>
    %select_n3A_665 = arith.select %eq3A_658, %div3A_584, %select_n3A_664 : vector<16xi1>, vector<16xf32>
    %swap3A_666 = arith.constant 352 : index
    %swap3A_667 = tpu.vector_load %arg5[%swap3A_666] {strides = array<i32>} : memref<512xf32, #tpu.memory_space<vmem>>, vector<16xf32>,
    %swap3A_668 = vector.shape_cast %swap3A_667 : vector<16xf32> to vector<16xf32>
    %swap3A_669 = vector.shape_cast %select_n3A_665 : vector<16xf32> to vector<16xf32>
    tpu.vector_store %arg5[%swap3A_666], %swap3A_669 {strides = array<i32>} : memref<512xf32, #tpu.memory_space<vmem>>, vector<16xf32>,
    %eq3A_670 = arith.constant 6 : i32
    %eq3A_671 = vector.broadcast %eq3A_670 : i32 to vector<16xi32>
    %eq3A_672 = arith.cmpi eq, %select_n3A_576, %eq3A_671 : vector<16xi32>
    %eq3A_673 = arith.constant 6 : i32
    %eq3A_674 = vector.broadcast %eq3A_673 : i32 to vector<16xi32>
    %eq3A_675 = arith.cmpi eq, %select_n3A_572, %eq3A_674 : vector<16xi32>
    %jit3A_676 = arith.constant 0.000000e+00 : f32
    %broadcast_in_dim3A_677 = vector.broadcast %jit3A_676 : f32 to vector<16xf32>
    %select_n3A_678 = arith.select %eq3A_675, %div3A_585, %broadcast_in_dim3A_677 : vector<16xi1>, vector<16xf32>
    %select_n3A_679 = arith.select %eq3A_672, %div3A_584, %select_n3A_678 : vector<16xi1>, vector<16xf32>
    %swap3A_680 = arith.constant 416 : index
    %swap3A_681 = tpu.vector_load %arg5[%swap3A_680] {strides = array<i32>} : memref<512xf32, #tpu.memory_space<vmem>>, vector<16xf32>,
    %swap3A_682 = vector.shape_cast %swap3A_681 : vector<16xf32> to vector<16xf32>
    %swap3A_683 = vector.shape_cast %select_n3A_679 : vector<16xf32> to vector<16xf32>
    tpu.vector_store %arg5[%swap3A_680], %swap3A_683 {strides = array<i32>} : memref<512xf32, #tpu.memory_space<vmem>>, vector<16xf32>,
    %eq3A_684 = arith.constant 7 : i32
    %eq3A_685 = vector.broadcast %eq3A_684 : i32 to vector<16xi32>
    %eq3A_686 = arith.cmpi eq, %select_n3A_576, %eq3A_685 : vector<16xi32>
    %eq3A_687 = arith.constant 7 : i32
    %eq3A_688 = vector.broadcast %eq3A_687 : i32 to vector<16xi32>
    %eq3A_689 = arith.cmpi eq, %select_n3A_572, %eq3A_688 : vector<16xi32>
    %jit3A_690 = arith.constant 0.000000e+00 : f32
    %broadcast_in_dim3A_691 = vector.broadcast %jit3A_690 : f32 to vector<16xf32>
    %select_n3A_692 = arith.select %eq3A_689, %div3A_585, %broadcast_in_dim3A_691 : vector<16xi1>, vector<16xf32>
    %select_n3A_693 = arith.select %eq3A_686, %div3A_584, %select_n3A_692 : vector<16xi1>, vector<16xf32>
    %swap3A_694 = arith.constant 480 : index
    %swap3A_695 = tpu.vector_load %arg5[%swap3A_694] {strides = array<i32>} : memref<512xf32, #tpu.memory_space<vmem>>, vector<16xf32>,
    %swap3A_696 = vector.shape_cast %swap3A_695 : vector<16xf32> to vector<16xf32>
    %swap3A_697 = vector.shape_cast %select_n3A_693 : vector<16xf32> to vector<16xf32>
    tpu.vector_store %arg5[%swap3A_694], %swap3A_697 {strides = array<i32>} : memref<512xf32, #tpu.memory_space<vmem>>, vector<16xf32>,
    %get3A_698 = arith.constant 48 : index
    %get3A_699 = tpu.vector_load %arg4[%get3A_698] {strides = array<i32>} : memref<512xf32, #tpu.memory_space<vmem>>, vector<16xf32>,
    %get3A_700 = vector.shape_cast %get3A_699 : vector<16xf32> to vector<16xf32>
    %get3A_701 = arith.constant 112 : index
    %get3A_702 = tpu.vector_load %arg4[%get3A_701] {strides = array<i32>} : memref<512xf32, #tpu.memory_space<vmem>>, vector<16xf32>,
    %get3A_703 = vector.shape_cast %get3A_702 : vector<16xf32> to vector<16xf32>
    %get3A_704 = arith.constant 176 : index
    %get3A_705 = tpu.vector_load %arg4[%get3A_704] {strides = array<i32>} : memref<512xf32, #tpu.memory_space<vmem>>, vector<16xf32>,
    %get3A_706 = vector.shape_cast %get3A_705 : vector<16xf32> to vector<16xf32>
    %get3A_707 = arith.constant 240 : index
    %get3A_708 = tpu.vector_load %arg4[%get3A_707] {strides = array<i32>} : memref<512xf32, #tpu.memory_space<vmem>>, vector<16xf32>,
    %get3A_709 = vector.shape_cast %get3A_708 : vector<16xf32> to vector<16xf32>
    %get3A_710 = arith.constant 304 : index
    %get3A_711 = tpu.vector_load %arg4[%get3A_710] {strides = array<i32>} : memref<512xf32, #tpu.memory_space<vmem>>, vector<16xf32>,
    %get3A_712 = vector.shape_cast %get3A_711 : vector<16xf32> to vector<16xf32>
    %get3A_713 = arith.constant 368 : index
    %get3A_714 = tpu.vector_load %arg4[%get3A_713] {strides = array<i32>} : memref<512xf32, #tpu.memory_space<vmem>>, vector<16xf32>,
    %get3A_715 = vector.shape_cast %get3A_714 : vector<16xf32> to vector<16xf32>
    %get3A_716 = arith.constant 432 : index
    %get3A_717 = tpu.vector_load %arg4[%get3A_716] {strides = array<i32>} : memref<512xf32, #tpu.memory_space<vmem>>, vector<16xf32>,
    %get3A_718 = vector.shape_cast %get3A_717 : vector<16xf32> to vector<16xf32>
    %get3A_719 = arith.constant 496 : index
    %get3A_720 = tpu.vector_load %arg4[%get3A_719] {strides = array<i32>} : memref<512xf32, #tpu.memory_space<vmem>>, vector<16xf32>,
    %get3A_721 = vector.shape_cast %get3A_720 : vector<16xf32> to vector<16xf32>
    %broadcast_in_dim3A_722 = arith.constant 0 : i32
    %broadcast_in_dim3A_723 = vector.broadcast %broadcast_in_dim3A_722 : i32 to vector<16xi32>
    %broadcast_in_dim3A_724 = arith.constant 0xFF800000 : f32
    %broadcast_in_dim3A_725 = vector.broadcast %broadcast_in_dim3A_724 : f32 to vector<16xf32>
    %broadcast_in_dim3A_726 = arith.constant -1 : i32
    %broadcast_in_dim3A_727 = vector.broadcast %broadcast_in_dim3A_726 : i32 to vector<16xi32>
    %gt3A_728 = arith.cmpf ogt, %get3A_703, %get3A_700 : vector<16xf32>
    %gt3A_729 = arith.cmpf ogt, %get3A_703, %broadcast_in_dim3A_725 : vector<16xf32>
    %select_n3A_730 = arith.select %gt3A_729, %get3A_703, %broadcast_in_dim3A_725 : vector<16xi1>, vector<16xf32>
    %select_n3A_731 = arith.select %gt3A_728, %get3A_700, %select_n3A_730 : vector<16xi1>, vector<16xf32>
    %jit3A_732 = arith.constant 1 : i32
    %broadcast_in_dim3A_733 = vector.broadcast %jit3A_732 : i32 to vector<16xi32>
    %select_n3A_734 = arith.select %gt3A_729, %broadcast_in_dim3A_733, %broadcast_in_dim3A_727 : vector<16xi1>, vector<16xi32>
    %select_n3A_735 = arith.select %gt3A_728, %broadcast_in_dim3A_723, %select_n3A_734 : vector<16xi1>, vector<16xi32>
    %select_n3A_736 = arith.select %gt3A_728, %get3A_703, %get3A_700 : vector<16xi1>, vector<16xf32>
    %jit3A_737 = arith.constant 1 : i32
    %broadcast_in_dim3A_738 = vector.broadcast %jit3A_737 : i32 to vector<16xi32>
    %select_n3A_739 = arith.select %gt3A_728, %broadcast_in_dim3A_738, %broadcast_in_dim3A_723 : vector<16xi1>, vector<16xi32>
    %gt3A_740 = arith.cmpf ogt, %get3A_706, %select_n3A_736 : vector<16xf32>
    %gt3A_741 = arith.cmpf ogt, %get3A_706, %select_n3A_731 : vector<16xf32>
    %select_n3A_742 = arith.select %gt3A_741, %get3A_706, %select_n3A_731 : vector<16xi1>, vector<16xf32>
    %select_n3A_743 = arith.select %gt3A_740, %select_n3A_736, %select_n3A_742 : vector<16xi1>, vector<16xf32>
    %jit3A_744 = arith.constant 2 : i32
    %broadcast_in_dim3A_745 = vector.broadcast %jit3A_744 : i32 to vector<16xi32>
    %select_n3A_746 = arith.select %gt3A_741, %broadcast_in_dim3A_745, %select_n3A_735 : vector<16xi1>, vector<16xi32>
    %select_n3A_747 = arith.select %gt3A_740, %select_n3A_739, %select_n3A_746 : vector<16xi1>, vector<16xi32>
    %select_n3A_748 = arith.select %gt3A_740, %get3A_706, %select_n3A_736 : vector<16xi1>, vector<16xf32>
    %jit3A_749 = arith.constant 2 : i32
    %broadcast_in_dim3A_750 = vector.broadcast %jit3A_749 : i32 to vector<16xi32>
    %select_n3A_751 = arith.select %gt3A_740, %broadcast_in_dim3A_750, %select_n3A_739 : vector<16xi1>, vector<16xi32>
    %gt3A_752 = arith.cmpf ogt, %get3A_709, %select_n3A_748 : vector<16xf32>
    %gt3A_753 = arith.cmpf ogt, %get3A_709, %select_n3A_743 : vector<16xf32>
    %select_n3A_754 = arith.select %gt3A_753, %get3A_709, %select_n3A_743 : vector<16xi1>, vector<16xf32>
    %select_n3A_755 = arith.select %gt3A_752, %select_n3A_748, %select_n3A_754 : vector<16xi1>, vector<16xf32>
    %jit3A_756 = arith.constant 3 : i32
    %broadcast_in_dim3A_757 = vector.broadcast %jit3A_756 : i32 to vector<16xi32>
    %select_n3A_758 = arith.select %gt3A_753, %broadcast_in_dim3A_757, %select_n3A_747 : vector<16xi1>, vector<16xi32>
    %select_n3A_759 = arith.select %gt3A_752, %select_n3A_751, %select_n3A_758 : vector<16xi1>, vector<16xi32>
    %select_n3A_760 = arith.select %gt3A_752, %get3A_709, %select_n3A_748 : vector<16xi1>, vector<16xf32>
    %jit3A_761 = arith.constant 3 : i32
    %broadcast_in_dim3A_762 = vector.broadcast %jit3A_761 : i32 to vector<16xi32>
    %select_n3A_763 = arith.select %gt3A_752, %broadcast_in_dim3A_762, %select_n3A_751 : vector<16xi1>, vector<16xi32>
    %gt3A_764 = arith.cmpf ogt, %get3A_712, %select_n3A_760 : vector<16xf32>
    %gt3A_765 = arith.cmpf ogt, %get3A_712, %select_n3A_755 : vector<16xf32>
    %select_n3A_766 = arith.select %gt3A_765, %get3A_712, %select_n3A_755 : vector<16xi1>, vector<16xf32>
    %select_n3A_767 = arith.select %gt3A_764, %select_n3A_760, %select_n3A_766 : vector<16xi1>, vector<16xf32>
    %jit3A_768 = arith.constant 4 : i32
    %broadcast_in_dim3A_769 = vector.broadcast %jit3A_768 : i32 to vector<16xi32>
    %select_n3A_770 = arith.select %gt3A_765, %broadcast_in_dim3A_769, %select_n3A_759 : vector<16xi1>, vector<16xi32>
    %select_n3A_771 = arith.select %gt3A_764, %select_n3A_763, %select_n3A_770 : vector<16xi1>, vector<16xi32>
    %select_n3A_772 = arith.select %gt3A_764, %get3A_712, %select_n3A_760 : vector<16xi1>, vector<16xf32>
    %jit3A_773 = arith.constant 4 : i32
    %broadcast_in_dim3A_774 = vector.broadcast %jit3A_773 : i32 to vector<16xi32>
    %select_n3A_775 = arith.select %gt3A_764, %broadcast_in_dim3A_774, %select_n3A_763 : vector<16xi1>, vector<16xi32>
    %gt3A_776 = arith.cmpf ogt, %get3A_715, %select_n3A_772 : vector<16xf32>
    %gt3A_777 = arith.cmpf ogt, %get3A_715, %select_n3A_767 : vector<16xf32>
    %select_n3A_778 = arith.select %gt3A_777, %get3A_715, %select_n3A_767 : vector<16xi1>, vector<16xf32>
    %select_n3A_779 = arith.select %gt3A_776, %select_n3A_772, %select_n3A_778 : vector<16xi1>, vector<16xf32>
    %jit3A_780 = arith.constant 5 : i32
    %broadcast_in_dim3A_781 = vector.broadcast %jit3A_780 : i32 to vector<16xi32>
    %select_n3A_782 = arith.select %gt3A_777, %broadcast_in_dim3A_781, %select_n3A_771 : vector<16xi1>, vector<16xi32>
    %select_n3A_783 = arith.select %gt3A_776, %select_n3A_775, %select_n3A_782 : vector<16xi1>, vector<16xi32>
    %select_n3A_784 = arith.select %gt3A_776, %get3A_715, %select_n3A_772 : vector<16xi1>, vector<16xf32>
    %jit3A_785 = arith.constant 5 : i32
    %broadcast_in_dim3A_786 = vector.broadcast %jit3A_785 : i32 to vector<16xi32>
    %select_n3A_787 = arith.select %gt3A_776, %broadcast_in_dim3A_786, %select_n3A_775 : vector<16xi1>, vector<16xi32>
    %gt3A_788 = arith.cmpf ogt, %get3A_718, %select_n3A_784 : vector<16xf32>
    %gt3A_789 = arith.cmpf ogt, %get3A_718, %select_n3A_779 : vector<16xf32>
    %select_n3A_790 = arith.select %gt3A_789, %get3A_718, %select_n3A_779 : vector<16xi1>, vector<16xf32>
    %select_n3A_791 = arith.select %gt3A_788, %select_n3A_784, %select_n3A_790 : vector<16xi1>, vector<16xf32>
    %jit3A_792 = arith.constant 6 : i32
    %broadcast_in_dim3A_793 = vector.broadcast %jit3A_792 : i32 to vector<16xi32>
    %select_n3A_794 = arith.select %gt3A_789, %broadcast_in_dim3A_793, %select_n3A_783 : vector<16xi1>, vector<16xi32>
    %select_n3A_795 = arith.select %gt3A_788, %select_n3A_787, %select_n3A_794 : vector<16xi1>, vector<16xi32>
    %select_n3A_796 = arith.select %gt3A_788, %get3A_718, %select_n3A_784 : vector<16xi1>, vector<16xf32>
    %jit3A_797 = arith.constant 6 : i32
    %broadcast_in_dim3A_798 = vector.broadcast %jit3A_797 : i32 to vector<16xi32>
    %select_n3A_799 = arith.select %gt3A_788, %broadcast_in_dim3A_798, %select_n3A_787 : vector<16xi1>, vector<16xi32>
    %gt3A_800 = arith.cmpf ogt, %get3A_721, %select_n3A_796 : vector<16xf32>
    %gt3A_801 = arith.cmpf ogt, %get3A_721, %select_n3A_791 : vector<16xf32>
    %select_n3A_802 = arith.select %gt3A_801, %get3A_721, %select_n3A_791 : vector<16xi1>, vector<16xf32>
    %select_n3A_803 = arith.select %gt3A_800, %select_n3A_796, %select_n3A_802 : vector<16xi1>, vector<16xf32>
    %jit3A_804 = arith.constant 7 : i32
    %broadcast_in_dim3A_805 = vector.broadcast %jit3A_804 : i32 to vector<16xi32>
    %select_n3A_806 = arith.select %gt3A_801, %broadcast_in_dim3A_805, %select_n3A_795 : vector<16xi1>, vector<16xi32>
    %select_n3A_807 = arith.select %gt3A_800, %select_n3A_799, %select_n3A_806 : vector<16xi1>, vector<16xi32>
    %select_n3A_808 = arith.select %gt3A_800, %get3A_721, %select_n3A_796 : vector<16xi1>, vector<16xf32>
    %jit3A_809 = arith.constant 7 : i32
    %broadcast_in_dim3A_810 = vector.broadcast %jit3A_809 : i32 to vector<16xi32>
    %select_n3A_811 = arith.select %gt3A_800, %broadcast_in_dim3A_810, %select_n3A_799 : vector<16xi1>, vector<16xi32>
    %sub3A_812 = arith.subf %select_n3A_803, %select_n3A_808 : vector<16xf32>
    %exp3A_813 = math.exp %sub3A_812 : vector<16xf32>
    %add3A_814 = arith.constant 1.000000e+00 : f32
    %add3A_815 = vector.broadcast %add3A_814 : f32 to vector<16xf32>
    %add3A_816 = arith.addf %add3A_815, %exp3A_813 : vector<16xf32>
    %div3A_817 = arith.constant 1.000000e+00 : f32
    %div3A_818 = vector.broadcast %div3A_817 : f32 to vector<16xf32>
    %div3A_819 = arith.divf %div3A_818, %add3A_816 : vector<16xf32>
    %div3A_820 = arith.divf %exp3A_813, %add3A_816 : vector<16xf32>
    %eq3A_821 = arith.constant 0 : i32
    %eq3A_822 = vector.broadcast %eq3A_821 : i32 to vector<16xi32>
    %eq3A_823 = arith.cmpi eq, %select_n3A_811, %eq3A_822 : vector<16xi32>
    %eq3A_824 = arith.constant 0 : i32
    %eq3A_825 = vector.broadcast %eq3A_824 : i32 to vector<16xi32>
    %eq3A_826 = arith.cmpi eq, %select_n3A_807, %eq3A_825 : vector<16xi32>
    %jit3A_827 = arith.constant 0.000000e+00 : f32
    %broadcast_in_dim3A_828 = vector.broadcast %jit3A_827 : f32 to vector<16xf32>
    %select_n3A_829 = arith.select %eq3A_826, %div3A_820, %broadcast_in_dim3A_828 : vector<16xi1>, vector<16xf32>
    %select_n3A_830 = arith.select %eq3A_823, %div3A_819, %select_n3A_829 : vector<16xi1>, vector<16xf32>
    %swap3A_831 = arith.constant 48 : index
    %swap3A_832 = tpu.vector_load %arg5[%swap3A_831] {strides = array<i32>} : memref<512xf32, #tpu.memory_space<vmem>>, vector<16xf32>,
    %swap3A_833 = vector.shape_cast %swap3A_832 : vector<16xf32> to vector<16xf32>
    %swap3A_834 = vector.shape_cast %select_n3A_830 : vector<16xf32> to vector<16xf32>
    tpu.vector_store %arg5[%swap3A_831], %swap3A_834 {strides = array<i32>} : memref<512xf32, #tpu.memory_space<vmem>>, vector<16xf32>,
    %eq3A_835 = arith.constant 1 : i32
    %eq3A_836 = vector.broadcast %eq3A_835 : i32 to vector<16xi32>
    %eq3A_837 = arith.cmpi eq, %select_n3A_811, %eq3A_836 : vector<16xi32>
    %eq3A_838 = arith.constant 1 : i32
    %eq3A_839 = vector.broadcast %eq3A_838 : i32 to vector<16xi32>
    %eq3A_840 = arith.cmpi eq, %select_n3A_807, %eq3A_839 : vector<16xi32>
    %jit3A_841 = arith.constant 0.000000e+00 : f32
    %broadcast_in_dim3A_842 = vector.broadcast %jit3A_841 : f32 to vector<16xf32>
    %select_n3A_843 = arith.select %eq3A_840, %div3A_820, %broadcast_in_dim3A_842 : vector<16xi1>, vector<16xf32>
    %select_n3A_844 = arith.select %eq3A_837, %div3A_819, %select_n3A_843 : vector<16xi1>, vector<16xf32>
    %swap3A_845 = arith.constant 112 : index
    %swap3A_846 = tpu.vector_load %arg5[%swap3A_845] {strides = array<i32>} : memref<512xf32, #tpu.memory_space<vmem>>, vector<16xf32>,
    %swap3A_847 = vector.shape_cast %swap3A_846 : vector<16xf32> to vector<16xf32>
    %swap3A_848 = vector.shape_cast %select_n3A_844 : vector<16xf32> to vector<16xf32>
    tpu.vector_store %arg5[%swap3A_845], %swap3A_848 {strides = array<i32>} : memref<512xf32, #tpu.memory_space<vmem>>, vector<16xf32>,
    %eq3A_849 = arith.constant 2 : i32
    %eq3A_850 = vector.broadcast %eq3A_849 : i32 to vector<16xi32>
    %eq3A_851 = arith.cmpi eq, %select_n3A_811, %eq3A_850 : vector<16xi32>
    %eq3A_852 = arith.constant 2 : i32
    %eq3A_853 = vector.broadcast %eq3A_852 : i32 to vector<16xi32>
    %eq3A_854 = arith.cmpi eq, %select_n3A_807, %eq3A_853 : vector<16xi32>
    %jit3A_855 = arith.constant 0.000000e+00 : f32
    %broadcast_in_dim3A_856 = vector.broadcast %jit3A_855 : f32 to vector<16xf32>
    %select_n3A_857 = arith.select %eq3A_854, %div3A_820, %broadcast_in_dim3A_856 : vector<16xi1>, vector<16xf32>
    %select_n3A_858 = arith.select %eq3A_851, %div3A_819, %select_n3A_857 : vector<16xi1>, vector<16xf32>
    %swap3A_859 = arith.constant 176 : index
    %swap3A_860 = tpu.vector_load %arg5[%swap3A_859] {strides = array<i32>} : memref<512xf32, #tpu.memory_space<vmem>>, vector<16xf32>,
    %swap3A_861 = vector.shape_cast %swap3A_860 : vector<16xf32> to vector<16xf32>
    %swap3A_862 = vector.shape_cast %select_n3A_858 : vector<16xf32> to vector<16xf32>
    tpu.vector_store %arg5[%swap3A_859], %swap3A_862 {strides = array<i32>} : memref<512xf32, #tpu.memory_space<vmem>>, vector<16xf32>,
    %eq3A_863 = arith.constant 3 : i32
    %eq3A_864 = vector.broadcast %eq3A_863 : i32 to vector<16xi32>
    %eq3A_865 = arith.cmpi eq, %select_n3A_811, %eq3A_864 : vector<16xi32>
    %eq3A_866 = arith.constant 3 : i32
    %eq3A_867 = vector.broadcast %eq3A_866 : i32 to vector<16xi32>
    %eq3A_868 = arith.cmpi eq, %select_n3A_807, %eq3A_867 : vector<16xi32>
    %jit3A_869 = arith.constant 0.000000e+00 : f32
    %broadcast_in_dim3A_870 = vector.broadcast %jit3A_869 : f32 to vector<16xf32>
    %select_n3A_871 = arith.select %eq3A_868, %div3A_820, %broadcast_in_dim3A_870 : vector<16xi1>, vector<16xf32>
    %select_n3A_872 = arith.select %eq3A_865, %div3A_819, %select_n3A_871 : vector<16xi1>, vector<16xf32>
    %swap3A_873 = arith.constant 240 : index
    %swap3A_874 = tpu.vector_load %arg5[%swap3A_873] {strides = array<i32>} : memref<512xf32, #tpu.memory_space<vmem>>, vector<16xf32>,
    %swap3A_875 = vector.shape_cast %swap3A_874 : vector<16xf32> to vector<16xf32>
    %swap3A_876 = vector.shape_cast %select_n3A_872 : vector<16xf32> to vector<16xf32>
    tpu.vector_store %arg5[%swap3A_873], %swap3A_876 {strides = array<i32>} : memref<512xf32, #tpu.memory_space<vmem>>, vector<16xf32>,
    %eq3A_877 = arith.constant 4 : i32
    %eq3A_878 = vector.broadcast %eq3A_877 : i32 to vector<16xi32>
    %eq3A_879 = arith.cmpi eq, %select_n3A_811, %eq3A_878 : vector<16xi32>
    %eq3A_880 = arith.constant 4 : i32
    %eq3A_881 = vector.broadcast %eq3A_880 : i32 to vector<16xi32>
    %eq3A_882 = arith.cmpi eq, %select_n3A_807, %eq3A_881 : vector<16xi32>
    %jit3A_883 = arith.constant 0.000000e+00 : f32
    %broadcast_in_dim3A_884 = vector.broadcast %jit3A_883 : f32 to vector<16xf32>
    %select_n3A_885 = arith.select %eq3A_882, %div3A_820, %broadcast_in_dim3A_884 : vector<16xi1>, vector<16xf32>
    %select_n3A_886 = arith.select %eq3A_879, %div3A_819, %select_n3A_885 : vector<16xi1>, vector<16xf32>
    %swap3A_887 = arith.constant 304 : index
    %swap3A_888 = tpu.vector_load %arg5[%swap3A_887] {strides = array<i32>} : memref<512xf32, #tpu.memory_space<vmem>>, vector<16xf32>,
    %swap3A_889 = vector.shape_cast %swap3A_888 : vector<16xf32> to vector<16xf32>
    %swap3A_890 = vector.shape_cast %select_n3A_886 : vector<16xf32> to vector<16xf32>
    tpu.vector_store %arg5[%swap3A_887], %swap3A_890 {strides = array<i32>} : memref<512xf32, #tpu.memory_space<vmem>>, vector<16xf32>,
    %eq3A_891 = arith.constant 5 : i32
    %eq3A_892 = vector.broadcast %eq3A_891 : i32 to vector<16xi32>
    %eq3A_893 = arith.cmpi eq, %select_n3A_811, %eq3A_892 : vector<16xi32>
    %eq3A_894 = arith.constant 5 : i32
    %eq3A_895 = vector.broadcast %eq3A_894 : i32 to vector<16xi32>
    %eq3A_896 = arith.cmpi eq, %select_n3A_807, %eq3A_895 : vector<16xi32>
    %jit3A_897 = arith.constant 0.000000e+00 : f32
    %broadcast_in_dim3A_898 = vector.broadcast %jit3A_897 : f32 to vector<16xf32>
    %select_n3A_899 = arith.select %eq3A_896, %div3A_820, %broadcast_in_dim3A_898 : vector<16xi1>, vector<16xf32>
    %select_n3A_900 = arith.select %eq3A_893, %div3A_819, %select_n3A_899 : vector<16xi1>, vector<16xf32>
    %swap3A_901 = arith.constant 368 : index
    %swap3A_902 = tpu.vector_load %arg5[%swap3A_901] {strides = array<i32>} : memref<512xf32, #tpu.memory_space<vmem>>, vector<16xf32>,
    %swap3A_903 = vector.shape_cast %swap3A_902 : vector<16xf32> to vector<16xf32>
    %swap3A_904 = vector.shape_cast %select_n3A_900 : vector<16xf32> to vector<16xf32>
    tpu.vector_store %arg5[%swap3A_901], %swap3A_904 {strides = array<i32>} : memref<512xf32, #tpu.memory_space<vmem>>, vector<16xf32>,
    %eq3A_905 = arith.constant 6 : i32
    %eq3A_906 = vector.broadcast %eq3A_905 : i32 to vector<16xi32>
    %eq3A_907 = arith.cmpi eq, %select_n3A_811, %eq3A_906 : vector<16xi32>
    %eq3A_908 = arith.constant 6 : i32
    %eq3A_909 = vector.broadcast %eq3A_908 : i32 to vector<16xi32>
    %eq3A_910 = arith.cmpi eq, %select_n3A_807, %eq3A_909 : vector<16xi32>
    %jit3A_911 = arith.constant 0.000000e+00 : f32
    %broadcast_in_dim3A_912 = vector.broadcast %jit3A_911 : f32 to vector<16xf32>
    %select_n3A_913 = arith.select %eq3A_910, %div3A_820, %broadcast_in_dim3A_912 : vector<16xi1>, vector<16xf32>
    %select_n3A_914 = arith.select %eq3A_907, %div3A_819, %select_n3A_913 : vector<16xi1>, vector<16xf32>
    %swap3A_915 = arith.constant 432 : index
    %swap3A_916 = tpu.vector_load %arg5[%swap3A_915] {strides = array<i32>} : memref<512xf32, #tpu.memory_space<vmem>>, vector<16xf32>,
    %swap3A_917 = vector.shape_cast %swap3A_916 : vector<16xf32> to vector<16xf32>
    %swap3A_918 = vector.shape_cast %select_n3A_914 : vector<16xf32> to vector<16xf32>
    tpu.vector_store %arg5[%swap3A_915], %swap3A_918 {strides = array<i32>} : memref<512xf32, #tpu.memory_space<vmem>>, vector<16xf32>,
    %eq3A_919 = arith.constant 7 : i32
    %eq3A_920 = vector.broadcast %eq3A_919 : i32 to vector<16xi32>
    %eq3A_921 = arith.cmpi eq, %select_n3A_811, %eq3A_920 : vector<16xi32>
    %eq3A_922 = arith.constant 7 : i32
    %eq3A_923 = vector.broadcast %eq3A_922 : i32 to vector<16xi32>
    %eq3A_924 = arith.cmpi eq, %select_n3A_807, %eq3A_923 : vector<16xi32>
    %jit3A_925 = arith.constant 0.000000e+00 : f32
    %broadcast_in_dim3A_926 = vector.broadcast %jit3A_925 : f32 to vector<16xf32>
    %select_n3A_927 = arith.select %eq3A_924, %div3A_820, %broadcast_in_dim3A_926 : vector<16xi1>, vector<16xf32>
    %select_n3A_928 = arith.select %eq3A_921, %div3A_819, %select_n3A_927 : vector<16xi1>, vector<16xf32>
    %swap3A_929 = arith.constant 496 : index
    %swap3A_930 = tpu.vector_load %arg5[%swap3A_929] {strides = array<i32>} : memref<512xf32, #tpu.memory_space<vmem>>, vector<16xf32>,
    %swap3A_931 = vector.shape_cast %swap3A_930 : vector<16xf32> to vector<16xf32>
    %swap3A_932 = vector.shape_cast %select_n3A_928 : vector<16xf32> to vector<16xf32>
    tpu.vector_store %arg5[%swap3A_929], %swap3A_932 {strides = array<i32>} : memref<512xf32, #tpu.memory_space<vmem>>, vector<16xf32>,
    "tpu.region"() ({
      %run_scoped3A = tpu.sem_alloc : memref<!tpu.dma_semaphore, #tpu.memory_space<semaphore_mem>>
      %dma_start3A = tpu.memref_slice %arg3[%mul3A_2] : memref<16384xf32, #tpu.memory_space<hbm>> -> memref<512xf32, #tpu.memory_space<hbm>>
      %dma_start3A_933 = tpu.memref_slice %arg3[%mul3A_2] : memref<16384xf32, #tpu.memory_space<hbm>> -> memref<512xf32, #tpu.memory_space<hbm>>
      tpu.enqueue_dma source(%arg5 : memref<512xf32, #tpu.memory_space<vmem>>) target(%dma_start3A_933 : memref<512xf32, #tpu.memory_space<hbm>>) target_semaphore(%run_scoped3A : memref<!tpu.dma_semaphore, #tpu.memory_space<semaphore_mem>>)
      %dma_wait3A = tpu.memref_slice %arg3[%mul3A_2] : memref<16384xf32, #tpu.memory_space<hbm>> -> memref<512xf32, #tpu.memory_space<hbm>>
      %dma_wait3A_934 = tpu.memref_slice %arg3[%mul3A_2] : memref<16384xf32, #tpu.memory_space<hbm>> -> memref<512xf32, #tpu.memory_space<hbm>>
      tpu.wait_dma2 semaphore(%run_scoped3A : memref<!tpu.dma_semaphore, #tpu.memory_space<semaphore_mem>>) src(%arg5 : memref<512xf32, #tpu.memory_space<vmem>>) dst(%dma_wait3A_934 : memref<512xf32, #tpu.memory_space<hbm>>)
      tpu.yield
    }) : () -> ()
    return
  }
}

module attributes {stable_mosaic.version = 14 : i64} {
  func.func @_bids_body(%arg0: memref<2048x768xf32, #tpu.memory_space<vmem>>, %arg1: memref<768x8xf32, #tpu.memory_space<vmem>>, %arg2: memref<1x8xf32, #tpu.memory_space<vmem>>, %arg3: memref<1x8xf32, #tpu.memory_space<vmem>>, %arg4: memref<2048x8xf32, #tpu.memory_space<vmem>>, %arg5: memref<2048x768xbf16, #tpu.memory_space<vmem>>) attributes {dimension_semantics = [], scalar_prefetch = 0 : i64, scratch_operands = 0 : i64, tpu.core_type = #tpu.core_type<tc>} {
    %get3A = arith.constant 0 : index
    %get3A_0 = arith.constant 0 : index
    %get3A_1 = vector.load %arg0[%get3A, %get3A_0] : memref<2048x768xf32, #tpu.memory_space<vmem>>, vector<2048x768xf32>
    %get3A_2 = arith.constant 0 : index
    %get3A_3 = arith.constant 0 : index
    %get3A_4 = vector.load %arg1[%get3A_2, %get3A_3] : memref<768x8xf32, #tpu.memory_space<vmem>>, vector<768x8xf32>
    %dot_general3A = arith.constant dense<0.000000e+00> : vector<2048x8xf32>
    %dot_general3A_5 = tpu.matmul %get3A_1, %get3A_4, %dot_general3A {dimension_numbers = #tpu.dot_dimension_numbers<[1], [0], [0], [1], [0, 0, 1, 1], [], []>, transpose_lhs_hint = false} : vector<2048x768xf32>, vector<768x8xf32>, vector<2048x8xf32> -> vector<2048x8xf32>
    %get3A_6 = arith.constant 0 : index
    %get3A_7 = arith.constant 0 : index
    %get3A_8 = vector.load %arg2[%get3A_6, %get3A_7] : memref<1x8xf32, #tpu.memory_space<vmem>>, vector<1x8xf32>
    %add3A = vector.broadcast %get3A_8 : vector<1x8xf32> to vector<2048x8xf32>
    %add3A_9 = arith.addf %dot_general3A_5, %add3A : vector<2048x8xf32>
    %logistic3A = arith.negf %add3A_9 : vector<2048x8xf32>
    %logistic3A_10 = math.exp %logistic3A : vector<2048x8xf32>
    %logistic3A_11 = arith.constant 1.000000e+00 : f32
    %logistic3A_12 = vector.broadcast %logistic3A_11 : f32 to vector<2048x8xf32>
    %logistic3A_13 = arith.addf %logistic3A_12, %logistic3A_10 : vector<2048x8xf32>
    %logistic3A_14 = arith.divf %logistic3A_12, %logistic3A_13 : vector<2048x8xf32>
    %get3A_15 = arith.constant 0 : index
    %get3A_16 = arith.constant 0 : index
    %get3A_17 = vector.load %arg3[%get3A_15, %get3A_16] : memref<1x8xf32, #tpu.memory_space<vmem>>, vector<1x8xf32>
    %mul3A = vector.broadcast %get3A_17 : vector<1x8xf32> to vector<2048x8xf32>
    %mul3A_18 = arith.mulf %logistic3A_14, %mul3A : vector<2048x8xf32>
    %swap3A = arith.constant 0 : index
    %swap3A_19 = arith.constant 0 : index
    %swap3A_20 = vector.load %arg4[%swap3A, %swap3A_19] : memref<2048x8xf32, #tpu.memory_space<vmem>>, vector<2048x8xf32>
    tpu.vector_store %arg4[%swap3A, %swap3A_19], %mul3A_18 {strides = array<i32>} : memref<2048x8xf32, #tpu.memory_space<vmem>>, vector<2048x8xf32>,
    %convert_element_type3A = arith.truncf %get3A_1 : vector<2048x768xf32> to vector<2048x768xbf16>
    %swap3A_21 = arith.constant 0 : index
    %swap3A_22 = arith.constant 0 : index
    %swap3A_23 = vector.load %arg5[%swap3A_21, %swap3A_22] : memref<2048x768xbf16, #tpu.memory_space<vmem>>, vector<2048x768xbf16>
    tpu.vector_store %arg5[%swap3A_21, %swap3A_22], %convert_element_type3A {strides = array<i32>} : memref<2048x768xbf16, #tpu.memory_space<vmem>>, vector<2048x768xbf16>,
    return
  }
}

module attributes {stable_mosaic.version = 14 : i64} {
  func.func @_prep_body(%arg0: memref<768x2048xf32, #tpu.memory_space<vmem>>, %arg1: memref<768x2048xf32, #tpu.memory_space<vmem>>, %arg2: memref<2048x768xf32, #tpu.memory_space<vmem>>, %arg3: memref<512x2048xf32, #tpu.memory_space<vmem>>, %arg4: memref<512x2048xf32, #tpu.memory_space<vmem>>, %arg5: memref<512x768xf32, #tpu.memory_space<vmem>>, %arg6: memref<768x2048xbf16, #tpu.memory_space<vmem>>, %arg7: memref<768x2048xbf16, #tpu.memory_space<vmem>>, %arg8: memref<2048x768xbf16, #tpu.memory_space<vmem>>, %arg9: memref<512x2048xbf16, #tpu.memory_space<vmem>>, %arg10: memref<512x2048xbf16, #tpu.memory_space<vmem>>, %arg11: memref<512x768xbf16, #tpu.memory_space<vmem>>) attributes {dimension_semantics = [], scalar_prefetch = 0 : i64, scratch_operands = 0 : i64, tpu.core_type = #tpu.core_type<tc>} {
    %get3A = arith.constant 0 : index
    %get3A_0 = arith.constant 0 : index
    %get3A_1 = vector.load %arg0[%get3A, %get3A_0] : memref<768x2048xf32, #tpu.memory_space<vmem>>, vector<768x2048xf32>
    %convert_element_type3A = arith.truncf %get3A_1 : vector<768x2048xf32> to vector<768x2048xbf16>
    %swap3A = arith.constant 0 : index
    %swap3A_2 = arith.constant 0 : index
    %swap3A_3 = vector.load %arg6[%swap3A, %swap3A_2] : memref<768x2048xbf16, #tpu.memory_space<vmem>>, vector<768x2048xbf16>
    tpu.vector_store %arg6[%swap3A, %swap3A_2], %convert_element_type3A {strides = array<i32>} : memref<768x2048xbf16, #tpu.memory_space<vmem>>, vector<768x2048xbf16>,
    %get3A_4 = arith.constant 0 : index
    %get3A_5 = arith.constant 0 : index
    %get3A_6 = vector.load %arg1[%get3A_4, %get3A_5] : memref<768x2048xf32, #tpu.memory_space<vmem>>, vector<768x2048xf32>
    %convert_element_type3A_7 = arith.truncf %get3A_6 : vector<768x2048xf32> to vector<768x2048xbf16>
    %swap3A_8 = arith.constant 0 : index
    %swap3A_9 = arith.constant 0 : index
    %swap3A_10 = vector.load %arg7[%swap3A_8, %swap3A_9] : memref<768x2048xbf16, #tpu.memory_space<vmem>>, vector<768x2048xbf16>
    tpu.vector_store %arg7[%swap3A_8, %swap3A_9], %convert_element_type3A_7 {strides = array<i32>} : memref<768x2048xbf16, #tpu.memory_space<vmem>>, vector<768x2048xbf16>,
    %get3A_11 = arith.constant 0 : index
    %get3A_12 = arith.constant 0 : index
    %get3A_13 = vector.load %arg2[%get3A_11, %get3A_12] : memref<2048x768xf32, #tpu.memory_space<vmem>>, vector<2048x768xf32>
    %convert_element_type3A_14 = arith.truncf %get3A_13 : vector<2048x768xf32> to vector<2048x768xbf16>
    %swap3A_15 = arith.constant 0 : index
    %swap3A_16 = arith.constant 0 : index
    %swap3A_17 = vector.load %arg8[%swap3A_15, %swap3A_16] : memref<2048x768xbf16, #tpu.memory_space<vmem>>, vector<2048x768xbf16>
    tpu.vector_store %arg8[%swap3A_15, %swap3A_16], %convert_element_type3A_14 {strides = array<i32>} : memref<2048x768xbf16, #tpu.memory_space<vmem>>, vector<2048x768xbf16>,
    %get3A_18 = arith.constant 0 : index
    %get3A_19 = arith.constant 0 : index
    %get3A_20 = vector.load %arg3[%get3A_18, %get3A_19] : memref<512x2048xf32, #tpu.memory_space<vmem>>, vector<512x2048xf32>
    %convert_element_type3A_21 = arith.truncf %get3A_20 : vector<512x2048xf32> to vector<512x2048xbf16>
    %swap3A_22 = arith.constant 0 : index
    %swap3A_23 = arith.constant 0 : index
    %swap3A_24 = vector.load %arg9[%swap3A_22, %swap3A_23] : memref<512x2048xbf16, #tpu.memory_space<vmem>>, vector<512x2048xbf16>
    tpu.vector_store %arg9[%swap3A_22, %swap3A_23], %convert_element_type3A_21 {strides = array<i32>} : memref<512x2048xbf16, #tpu.memory_space<vmem>>, vector<512x2048xbf16>,
    %get3A_25 = arith.constant 0 : index
    %get3A_26 = arith.constant 0 : index
    %get3A_27 = vector.load %arg4[%get3A_25, %get3A_26] : memref<512x2048xf32, #tpu.memory_space<vmem>>, vector<512x2048xf32>
    %convert_element_type3A_28 = arith.truncf %get3A_27 : vector<512x2048xf32> to vector<512x2048xbf16>
    %swap3A_29 = arith.constant 0 : index
    %swap3A_30 = arith.constant 0 : index
    %swap3A_31 = vector.load %arg10[%swap3A_29, %swap3A_30] : memref<512x2048xbf16, #tpu.memory_space<vmem>>, vector<512x2048xbf16>
    tpu.vector_store %arg10[%swap3A_29, %swap3A_30], %convert_element_type3A_28 {strides = array<i32>} : memref<512x2048xbf16, #tpu.memory_space<vmem>>, vector<512x2048xbf16>,
    %get3A_32 = arith.constant 0 : index
    %get3A_33 = arith.constant 0 : index
    %get3A_34 = vector.load %arg5[%get3A_32, %get3A_33] : memref<512x768xf32, #tpu.memory_space<vmem>>, vector<512x768xf32>
    %convert_element_type3A_35 = arith.truncf %get3A_34 : vector<512x768xf32> to vector<512x768xbf16>
    %swap3A_36 = arith.constant 0 : index
    %swap3A_37 = arith.constant 0 : index
    %swap3A_38 = vector.load %arg11[%swap3A_36, %swap3A_37] : memref<512x768xbf16, #tpu.memory_space<vmem>>, vector<512x768xbf16>
    tpu.vector_store %arg11[%swap3A_36, %swap3A_37], %convert_element_type3A_35 {strides = array<i32>} : memref<512x768xbf16, #tpu.memory_space<vmem>>, vector<512x768xbf16>,
    return
  }
}

module attributes {stable_mosaic.version = 14 : i64} {
  func.func @_ffn_body(%arg0: i32, %arg1: memref<512x768xbf16, #tpu.memory_space<vmem>>, %arg2: memref<512x8xf32, #tpu.memory_space<vmem>>, %arg3: memref<768x1024xbf16, #tpu.memory_space<vmem>>, %arg4: memref<512x2048xbf16, #tpu.memory_space<vmem>>, %arg5: memref<512x2048xbf16, #tpu.memory_space<vmem>>, %arg6: memref<768x2048xbf16, #tpu.memory_space<vmem>>, %arg7: memref<768x2048xbf16, #tpu.memory_space<vmem>>, %arg8: memref<2048x768xbf16, #tpu.memory_space<vmem>>, %arg9: memref<2048x512xbf16, #tpu.memory_space<vmem>>, %arg10: memref<512x768xbf16, #tpu.memory_space<vmem>>, %arg11: memref<512x768xf32, #tpu.memory_space<vmem>>) attributes {dimension_semantics = [#tpu.dimension_semantics<arbitrary>], iteration_bounds = array<i64: 4>, scalar_prefetch = 0 : i64, scratch_operands = 0 : i64, tpu.core_type = #tpu.core_type<tc>, window_params = [{transform_indices = @transform_0, window_bounds = array<i64: 512, 768>}, {transform_indices = @transform_1, window_bounds = array<i64: 512, 8>}, {pipeline_mode = #tpu.pipeline_mode<synchronous>, transform_indices = @transform_2, window_bounds = array<i64: 768, 1024>}, {pipeline_mode = #tpu.pipeline_mode<synchronous>, transform_indices = @transform_3, window_bounds = array<i64: 512, 2048>}, {pipeline_mode = #tpu.pipeline_mode<synchronous>, transform_indices = @transform_4, window_bounds = array<i64: 512, 2048>}, {pipeline_mode = #tpu.pipeline_mode<synchronous>, transform_indices = @transform_5, window_bounds = array<i64: 768, 2048>}, {pipeline_mode = #tpu.pipeline_mode<synchronous>, transform_indices = @transform_6, window_bounds = array<i64: 768, 2048>}, {pipeline_mode = #tpu.pipeline_mode<synchronous>, transform_indices = @transform_7, window_bounds = array<i64: 2048, 768>}, {pipeline_mode = #tpu.pipeline_mode<synchronous>, transform_indices = @transform_8, window_bounds = array<i64: 2048, 512>}, {pipeline_mode = #tpu.pipeline_mode<synchronous>, transform_indices = @transform_9, window_bounds = array<i64: 512, 768>}, {transform_indices = @transform_10, window_bounds = array<i64: 512, 768>}]} {
    %get3A = arith.constant 0 : index
    %get3A_0 = arith.constant 0 : index
    %get3A_1 = vector.load %arg1[%get3A, %get3A_0] : memref<512x768xbf16, #tpu.memory_space<vmem>>, vector<512x768xbf16>
    %get3A_2 = arith.constant 0 : index
    %get3A_3 = arith.constant 0 : index
    %get3A_4 = vector.load %arg6[%get3A_2, %get3A_3] : memref<768x2048xbf16, #tpu.memory_space<vmem>>, vector<768x2048xbf16>
    %dot_general3A = arith.constant dense<0.000000e+00> : vector<512x2048xf32>
    %dot_general3A_5 = tpu.matmul %get3A_1, %get3A_4, %dot_general3A {dimension_numbers = #tpu.dot_dimension_numbers<[1], [0], [0], [1], [0, 0, 1, 1], [], []>, transpose_lhs_hint = false} : vector<512x768xbf16>, vector<768x2048xbf16>, vector<512x2048xf32> -> vector<512x2048xf32>
    %convert_element_type3A = arith.truncf %dot_general3A_5 : vector<512x2048xf32> to vector<512x2048xbf16>
    %get3A_6 = arith.constant 0 : index
    %get3A_7 = arith.constant 0 : index
    %get3A_8 = vector.load %arg7[%get3A_6, %get3A_7] : memref<768x2048xbf16, #tpu.memory_space<vmem>>, vector<768x2048xbf16>
    %dot_general3A_9 = arith.constant dense<0.000000e+00> : vector<512x2048xf32>
    %dot_general3A_10 = tpu.matmul %get3A_1, %get3A_8, %dot_general3A_9 {dimension_numbers = #tpu.dot_dimension_numbers<[1], [0], [0], [1], [0, 0, 1, 1], [], []>, transpose_lhs_hint = false} : vector<512x768xbf16>, vector<768x2048xbf16>, vector<512x2048xf32> -> vector<512x2048xf32>
    %convert_element_type3A_11 = arith.truncf %dot_general3A_10 : vector<512x2048xf32> to vector<512x2048xbf16>
    %get3A_12 = arith.constant 0 : index
    %get3A_13 = arith.constant 0 : index
    %get3A_14 = vector.load %arg3[%get3A_12, %get3A_13] : memref<768x1024xbf16, #tpu.memory_space<vmem>>, vector<768x1024xbf16>
    %dot_general3A_15 = arith.constant dense<0.000000e+00> : vector<512x1024xf32>
    %dot_general3A_16 = tpu.matmul %get3A_1, %get3A_14, %dot_general3A_15 {dimension_numbers = #tpu.dot_dimension_numbers<[1], [0], [0], [1], [0, 0, 1, 1], [], []>, transpose_lhs_hint = false} : vector<512x768xbf16>, vector<768x1024xbf16>, vector<512x1024xf32> -> vector<512x1024xf32>
    %mul3A = arith.constant 2.500000e-01 : f32
    %mul3A_17 = vector.broadcast %mul3A : f32 to vector<512x1024xf32>
    %mul3A_18 = arith.mulf %dot_general3A_16, %mul3A_17 : vector<512x1024xf32>
    %convert_element_type3A_19 = arith.truncf %mul3A_18 : vector<512x1024xf32> to vector<512x1024xbf16>
    %get3A_20 = arith.constant 0 : index
    %get3A_21 = arith.constant 0 : index
    %get3A_22 = vector.load %arg4[%get3A_20, %get3A_21] : memref<512x2048xbf16, #tpu.memory_space<vmem>>, vector<512x2048xbf16>
    %get3A_23 = arith.constant 0 : index
    %get3A_24 = arith.constant 0 : index
    %get3A_25 = vector.load %arg5[%get3A_23, %get3A_24] : memref<512x2048xbf16, #tpu.memory_space<vmem>>, vector<512x2048xbf16>
    %get3A_26 = arith.constant 0 : index
    %get3A_27 = arith.constant 0 : index
    %get3A_28 = vector.load %arg9[%get3A_26, %get3A_27] : memref<2048x512xbf16, #tpu.memory_space<vmem>>, vector<2048x512xbf16>
    %get3A_29 = arith.constant 0 : index
    %get3A_30 = arith.constant 0 : index
    %get3A_31 = vector.load %arg2[%get3A_29, %get3A_30] : memref<512x8xf32, #tpu.memory_space<vmem>>, vector<512x8xf32>
    %broadcast_in_dim3A = arith.constant 0.000000e+00 : bf16
    %broadcast_in_dim3A_32 = vector.broadcast %broadcast_in_dim3A : bf16 to vector<512x2048xbf16>
    %slice3A = vector.extract_strided_slice %convert_element_type3A_19 {offsets = [0, 0], sizes = [512, 64], strides = [1, 1]} : vector<512x1024xbf16> to vector<512x64xbf16>
    %slice3A_33 = vector.extract_strided_slice %convert_element_type3A_19 {offsets = [0, 512], sizes = [512, 64], strides = [1, 1]} : vector<512x1024xbf16> to vector<512x64xbf16>
    %slice3A_34 = vector.extract_strided_slice %get3A_22 {offsets = [0, 0], sizes = [64, 2048], strides = [1, 1]} : vector<512x2048xbf16> to vector<64x2048xbf16>
    %dot_general3A_35 = arith.constant dense<0.000000e+00> : vector<512x2048xf32>
    %dot_general3A_36 = tpu.matmul %slice3A, %slice3A_34, %dot_general3A_35 {dimension_numbers = #tpu.dot_dimension_numbers<[1], [0], [0], [1], [0, 0, 1, 1], [], []>, transpose_lhs_hint = false} : vector<512x64xbf16>, vector<64x2048xbf16>, vector<512x2048xf32> -> vector<512x2048xf32>
    %slice3A_37 = vector.extract_strided_slice %get3A_25 {offsets = [0, 0], sizes = [64, 2048], strides = [1, 1]} : vector<512x2048xbf16> to vector<64x2048xbf16>
    %dot_general3A_38 = arith.constant dense<0.000000e+00> : vector<512x2048xf32>
    %dot_general3A_39 = tpu.matmul %slice3A_33, %slice3A_37, %dot_general3A_38 {dimension_numbers = #tpu.dot_dimension_numbers<[1], [0], [0], [1], [0, 0, 1, 1], [], []>, transpose_lhs_hint = false} : vector<512x64xbf16>, vector<64x2048xbf16>, vector<512x2048xf32> -> vector<512x2048xf32>
    %convert_element_type3A_40 = arith.extf %convert_element_type3A : vector<512x2048xbf16> to vector<512x2048xf32>
    %add3A = arith.addf %convert_element_type3A_40, %dot_general3A_36 : vector<512x2048xf32>
    %convert_element_type3A_41 = arith.extf %convert_element_type3A_11 : vector<512x2048xbf16> to vector<512x2048xf32>
    %add3A_42 = arith.addf %convert_element_type3A_41, %dot_general3A_39 : vector<512x2048xf32>
    %logistic3A = arith.negf %add3A : vector<512x2048xf32>
    %logistic3A_43 = math.exp %logistic3A : vector<512x2048xf32>
    %logistic3A_44 = arith.constant 1.000000e+00 : f32
    %logistic3A_45 = vector.broadcast %logistic3A_44 : f32 to vector<512x2048xf32>
    %logistic3A_46 = arith.addf %logistic3A_45, %logistic3A_43 : vector<512x2048xf32>
    %logistic3A_47 = arith.divf %logistic3A_45, %logistic3A_46 : vector<512x2048xf32>
    %mul3A_48 = arith.mulf %add3A, %logistic3A_47 : vector<512x2048xf32>
    %mul3A_49 = arith.mulf %mul3A_48, %add3A_42 : vector<512x2048xf32>
    %slice3A_50 = vector.extract_strided_slice %get3A_31 {offsets = [0, 0], sizes = [512, 1], strides = [1, 1]} : vector<512x8xf32> to vector<512x1xf32>
    %mul3A_51 = vector.broadcast %slice3A_50 : vector<512x1xf32> to vector<512x2048xf32>
    %mul3A_52 = arith.mulf %mul3A_49, %mul3A_51 : vector<512x2048xf32>
    %convert_element_type3A_53 = arith.truncf %mul3A_52 : vector<512x2048xf32> to vector<512x2048xbf16>
    %add3A_54 = arith.addf %broadcast_in_dim3A_32, %convert_element_type3A_53 : vector<512x2048xbf16>
    %slice3A_55 = vector.extract_strided_slice %get3A_28 {offsets = [0, 0], sizes = [2048, 64], strides = [1, 1]} : vector<2048x512xbf16> to vector<2048x64xbf16>
    %dot_general3A_56 = arith.constant dense<0.000000e+00> : vector<512x64xf32>
    %dot_general3A_57 = tpu.matmul %convert_element_type3A_53, %slice3A_55, %dot_general3A_56 {dimension_numbers = #tpu.dot_dimension_numbers<[1], [0], [0], [1], [0, 0, 1, 1], [], []>, transpose_lhs_hint = false} : vector<512x2048xbf16>, vector<2048x64xbf16>, vector<512x64xf32> -> vector<512x64xf32>
    %convert_element_type3A_58 = arith.truncf %dot_general3A_57 : vector<512x64xf32> to vector<512x64xbf16>
    %slice3A_59 = vector.extract_strided_slice %convert_element_type3A_19 {offsets = [0, 64], sizes = [512, 64], strides = [1, 1]} : vector<512x1024xbf16> to vector<512x64xbf16>
    %slice3A_60 = vector.extract_strided_slice %convert_element_type3A_19 {offsets = [0, 576], sizes = [512, 64], strides = [1, 1]} : vector<512x1024xbf16> to vector<512x64xbf16>
    %slice3A_61 = vector.extract_strided_slice %get3A_22 {offsets = [64, 0], sizes = [64, 2048], strides = [1, 1]} : vector<512x2048xbf16> to vector<64x2048xbf16>
    %dot_general3A_62 = arith.constant dense<0.000000e+00> : vector<512x2048xf32>
    %dot_general3A_63 = tpu.matmul %slice3A_59, %slice3A_61, %dot_general3A_62 {dimension_numbers = #tpu.dot_dimension_numbers<[1], [0], [0], [1], [0, 0, 1, 1], [], []>, transpose_lhs_hint = false} : vector<512x64xbf16>, vector<64x2048xbf16>, vector<512x2048xf32> -> vector<512x2048xf32>
    %slice3A_64 = vector.extract_strided_slice %get3A_25 {offsets = [64, 0], sizes = [64, 2048], strides = [1, 1]} : vector<512x2048xbf16> to vector<64x2048xbf16>
    %dot_general3A_65 = arith.constant dense<0.000000e+00> : vector<512x2048xf32>
    %dot_general3A_66 = tpu.matmul %slice3A_60, %slice3A_64, %dot_general3A_65 {dimension_numbers = #tpu.dot_dimension_numbers<[1], [0], [0], [1], [0, 0, 1, 1], [], []>, transpose_lhs_hint = false} : vector<512x64xbf16>, vector<64x2048xbf16>, vector<512x2048xf32> -> vector<512x2048xf32>
    %convert_element_type3A_67 = arith.extf %convert_element_type3A : vector<512x2048xbf16> to vector<512x2048xf32>
    %add3A_68 = arith.addf %convert_element_type3A_67, %dot_general3A_63 : vector<512x2048xf32>
    %convert_element_type3A_69 = arith.extf %convert_element_type3A_11 : vector<512x2048xbf16> to vector<512x2048xf32>
    %add3A_70 = arith.addf %convert_element_type3A_69, %dot_general3A_66 : vector<512x2048xf32>
    %logistic3A_71 = arith.negf %add3A_68 : vector<512x2048xf32>
    %logistic3A_72 = math.exp %logistic3A_71 : vector<512x2048xf32>
    %logistic3A_73 = arith.constant 1.000000e+00 : f32
    %logistic3A_74 = vector.broadcast %logistic3A_73 : f32 to vector<512x2048xf32>
    %logistic3A_75 = arith.addf %logistic3A_74, %logistic3A_72 : vector<512x2048xf32>
    %logistic3A_76 = arith.divf %logistic3A_74, %logistic3A_75 : vector<512x2048xf32>
    %mul3A_77 = arith.mulf %add3A_68, %logistic3A_76 : vector<512x2048xf32>
    %mul3A_78 = arith.mulf %mul3A_77, %add3A_70 : vector<512x2048xf32>
    %slice3A_79 = vector.extract_strided_slice %get3A_31 {offsets = [0, 1], sizes = [512, 1], strides = [1, 1]} : vector<512x8xf32> to vector<512x1xf32>
    %mul3A_80 = vector.broadcast %slice3A_79 : vector<512x1xf32> to vector<512x2048xf32>
    %mul3A_81 = arith.mulf %mul3A_78, %mul3A_80 : vector<512x2048xf32>
    %convert_element_type3A_82 = arith.truncf %mul3A_81 : vector<512x2048xf32> to vector<512x2048xbf16>
    %add3A_83 = arith.addf %add3A_54, %convert_element_type3A_82 : vector<512x2048xbf16>
    %slice3A_84 = vector.extract_strided_slice %get3A_28 {offsets = [0, 64], sizes = [2048, 64], strides = [1, 1]} : vector<2048x512xbf16> to vector<2048x64xbf16>
    %dot_general3A_85 = arith.constant dense<0.000000e+00> : vector<512x64xf32>
    %dot_general3A_86 = tpu.matmul %convert_element_type3A_82, %slice3A_84, %dot_general3A_85 {dimension_numbers = #tpu.dot_dimension_numbers<[1], [0], [0], [1], [0, 0, 1, 1], [], []>, transpose_lhs_hint = false} : vector<512x2048xbf16>, vector<2048x64xbf16>, vector<512x64xf32> -> vector<512x64xf32>
    %convert_element_type3A_87 = arith.truncf %dot_general3A_86 : vector<512x64xf32> to vector<512x64xbf16>
    %slice3A_88 = vector.extract_strided_slice %convert_element_type3A_19 {offsets = [0, 128], sizes = [512, 64], strides = [1, 1]} : vector<512x1024xbf16> to vector<512x64xbf16>
    %slice3A_89 = vector.extract_strided_slice %convert_element_type3A_19 {offsets = [0, 640], sizes = [512, 64], strides = [1, 1]} : vector<512x1024xbf16> to vector<512x64xbf16>
    %slice3A_90 = vector.extract_strided_slice %get3A_22 {offsets = [128, 0], sizes = [64, 2048], strides = [1, 1]} : vector<512x2048xbf16> to vector<64x2048xbf16>
    %dot_general3A_91 = arith.constant dense<0.000000e+00> : vector<512x2048xf32>
    %dot_general3A_92 = tpu.matmul %slice3A_88, %slice3A_90, %dot_general3A_91 {dimension_numbers = #tpu.dot_dimension_numbers<[1], [0], [0], [1], [0, 0, 1, 1], [], []>, transpose_lhs_hint = false} : vector<512x64xbf16>, vector<64x2048xbf16>, vector<512x2048xf32> -> vector<512x2048xf32>
    %slice3A_93 = vector.extract_strided_slice %get3A_25 {offsets = [128, 0], sizes = [64, 2048], strides = [1, 1]} : vector<512x2048xbf16> to vector<64x2048xbf16>
    %dot_general3A_94 = arith.constant dense<0.000000e+00> : vector<512x2048xf32>
    %dot_general3A_95 = tpu.matmul %slice3A_89, %slice3A_93, %dot_general3A_94 {dimension_numbers = #tpu.dot_dimension_numbers<[1], [0], [0], [1], [0, 0, 1, 1], [], []>, transpose_lhs_hint = false} : vector<512x64xbf16>, vector<64x2048xbf16>, vector<512x2048xf32> -> vector<512x2048xf32>
    %convert_element_type3A_96 = arith.extf %convert_element_type3A : vector<512x2048xbf16> to vector<512x2048xf32>
    %add3A_97 = arith.addf %convert_element_type3A_96, %dot_general3A_92 : vector<512x2048xf32>
    %convert_element_type3A_98 = arith.extf %convert_element_type3A_11 : vector<512x2048xbf16> to vector<512x2048xf32>
    %add3A_99 = arith.addf %convert_element_type3A_98, %dot_general3A_95 : vector<512x2048xf32>
    %logistic3A_100 = arith.negf %add3A_97 : vector<512x2048xf32>
    %logistic3A_101 = math.exp %logistic3A_100 : vector<512x2048xf32>
    %logistic3A_102 = arith.constant 1.000000e+00 : f32
    %logistic3A_103 = vector.broadcast %logistic3A_102 : f32 to vector<512x2048xf32>
    %logistic3A_104 = arith.addf %logistic3A_103, %logistic3A_101 : vector<512x2048xf32>
    %logistic3A_105 = arith.divf %logistic3A_103, %logistic3A_104 : vector<512x2048xf32>
    %mul3A_106 = arith.mulf %add3A_97, %logistic3A_105 : vector<512x2048xf32>
    %mul3A_107 = arith.mulf %mul3A_106, %add3A_99 : vector<512x2048xf32>
    %slice3A_108 = vector.extract_strided_slice %get3A_31 {offsets = [0, 2], sizes = [512, 1], strides = [1, 1]} : vector<512x8xf32> to vector<512x1xf32>
    %mul3A_109 = vector.broadcast %slice3A_108 : vector<512x1xf32> to vector<512x2048xf32>
    %mul3A_110 = arith.mulf %mul3A_107, %mul3A_109 : vector<512x2048xf32>
    %convert_element_type3A_111 = arith.truncf %mul3A_110 : vector<512x2048xf32> to vector<512x2048xbf16>
    %add3A_112 = arith.addf %add3A_83, %convert_element_type3A_111 : vector<512x2048xbf16>
    %slice3A_113 = vector.extract_strided_slice %get3A_28 {offsets = [0, 128], sizes = [2048, 64], strides = [1, 1]} : vector<2048x512xbf16> to vector<2048x64xbf16>
    %dot_general3A_114 = arith.constant dense<0.000000e+00> : vector<512x64xf32>
    %dot_general3A_115 = tpu.matmul %convert_element_type3A_111, %slice3A_113, %dot_general3A_114 {dimension_numbers = #tpu.dot_dimension_numbers<[1], [0], [0], [1], [0, 0, 1, 1], [], []>, transpose_lhs_hint = false} : vector<512x2048xbf16>, vector<2048x64xbf16>, vector<512x64xf32> -> vector<512x64xf32>
    %convert_element_type3A_116 = arith.truncf %dot_general3A_115 : vector<512x64xf32> to vector<512x64xbf16>
    %slice3A_117 = vector.extract_strided_slice %convert_element_type3A_19 {offsets = [0, 192], sizes = [512, 64], strides = [1, 1]} : vector<512x1024xbf16> to vector<512x64xbf16>
    %slice3A_118 = vector.extract_strided_slice %convert_element_type3A_19 {offsets = [0, 704], sizes = [512, 64], strides = [1, 1]} : vector<512x1024xbf16> to vector<512x64xbf16>
    %slice3A_119 = vector.extract_strided_slice %get3A_22 {offsets = [192, 0], sizes = [64, 2048], strides = [1, 1]} : vector<512x2048xbf16> to vector<64x2048xbf16>
    %dot_general3A_120 = arith.constant dense<0.000000e+00> : vector<512x2048xf32>
    %dot_general3A_121 = tpu.matmul %slice3A_117, %slice3A_119, %dot_general3A_120 {dimension_numbers = #tpu.dot_dimension_numbers<[1], [0], [0], [1], [0, 0, 1, 1], [], []>, transpose_lhs_hint = false} : vector<512x64xbf16>, vector<64x2048xbf16>, vector<512x2048xf32> -> vector<512x2048xf32>
    %slice3A_122 = vector.extract_strided_slice %get3A_25 {offsets = [192, 0], sizes = [64, 2048], strides = [1, 1]} : vector<512x2048xbf16> to vector<64x2048xbf16>
    %dot_general3A_123 = arith.constant dense<0.000000e+00> : vector<512x2048xf32>
    %dot_general3A_124 = tpu.matmul %slice3A_118, %slice3A_122, %dot_general3A_123 {dimension_numbers = #tpu.dot_dimension_numbers<[1], [0], [0], [1], [0, 0, 1, 1], [], []>, transpose_lhs_hint = false} : vector<512x64xbf16>, vector<64x2048xbf16>, vector<512x2048xf32> -> vector<512x2048xf32>
    %convert_element_type3A_125 = arith.extf %convert_element_type3A : vector<512x2048xbf16> to vector<512x2048xf32>
    %add3A_126 = arith.addf %convert_element_type3A_125, %dot_general3A_121 : vector<512x2048xf32>
    %convert_element_type3A_127 = arith.extf %convert_element_type3A_11 : vector<512x2048xbf16> to vector<512x2048xf32>
    %add3A_128 = arith.addf %convert_element_type3A_127, %dot_general3A_124 : vector<512x2048xf32>
    %logistic3A_129 = arith.negf %add3A_126 : vector<512x2048xf32>
    %logistic3A_130 = math.exp %logistic3A_129 : vector<512x2048xf32>
    %logistic3A_131 = arith.constant 1.000000e+00 : f32
    %logistic3A_132 = vector.broadcast %logistic3A_131 : f32 to vector<512x2048xf32>
    %logistic3A_133 = arith.addf %logistic3A_132, %logistic3A_130 : vector<512x2048xf32>
    %logistic3A_134 = arith.divf %logistic3A_132, %logistic3A_133 : vector<512x2048xf32>
    %mul3A_135 = arith.mulf %add3A_126, %logistic3A_134 : vector<512x2048xf32>
    %mul3A_136 = arith.mulf %mul3A_135, %add3A_128 : vector<512x2048xf32>
    %slice3A_137 = vector.extract_strided_slice %get3A_31 {offsets = [0, 3], sizes = [512, 1], strides = [1, 1]} : vector<512x8xf32> to vector<512x1xf32>
    %mul3A_138 = vector.broadcast %slice3A_137 : vector<512x1xf32> to vector<512x2048xf32>
    %mul3A_139 = arith.mulf %mul3A_136, %mul3A_138 : vector<512x2048xf32>
    %convert_element_type3A_140 = arith.truncf %mul3A_139 : vector<512x2048xf32> to vector<512x2048xbf16>
    %add3A_141 = arith.addf %add3A_112, %convert_element_type3A_140 : vector<512x2048xbf16>
    %slice3A_142 = vector.extract_strided_slice %get3A_28 {offsets = [0, 192], sizes = [2048, 64], strides = [1, 1]} : vector<2048x512xbf16> to vector<2048x64xbf16>
    %dot_general3A_143 = arith.constant dense<0.000000e+00> : vector<512x64xf32>
    %dot_general3A_144 = tpu.matmul %convert_element_type3A_140, %slice3A_142, %dot_general3A_143 {dimension_numbers = #tpu.dot_dimension_numbers<[1], [0], [0], [1], [0, 0, 1, 1], [], []>, transpose_lhs_hint = false} : vector<512x2048xbf16>, vector<2048x64xbf16>, vector<512x64xf32> -> vector<512x64xf32>
    %convert_element_type3A_145 = arith.truncf %dot_general3A_144 : vector<512x64xf32> to vector<512x64xbf16>
    %slice3A_146 = vector.extract_strided_slice %convert_element_type3A_19 {offsets = [0, 256], sizes = [512, 64], strides = [1, 1]} : vector<512x1024xbf16> to vector<512x64xbf16>
    %slice3A_147 = vector.extract_strided_slice %convert_element_type3A_19 {offsets = [0, 768], sizes = [512, 64], strides = [1, 1]} : vector<512x1024xbf16> to vector<512x64xbf16>
    %slice3A_148 = vector.extract_strided_slice %get3A_22 {offsets = [256, 0], sizes = [64, 2048], strides = [1, 1]} : vector<512x2048xbf16> to vector<64x2048xbf16>
    %dot_general3A_149 = arith.constant dense<0.000000e+00> : vector<512x2048xf32>
    %dot_general3A_150 = tpu.matmul %slice3A_146, %slice3A_148, %dot_general3A_149 {dimension_numbers = #tpu.dot_dimension_numbers<[1], [0], [0], [1], [0, 0, 1, 1], [], []>, transpose_lhs_hint = false} : vector<512x64xbf16>, vector<64x2048xbf16>, vector<512x2048xf32> -> vector<512x2048xf32>
    %slice3A_151 = vector.extract_strided_slice %get3A_25 {offsets = [256, 0], sizes = [64, 2048], strides = [1, 1]} : vector<512x2048xbf16> to vector<64x2048xbf16>
    %dot_general3A_152 = arith.constant dense<0.000000e+00> : vector<512x2048xf32>
    %dot_general3A_153 = tpu.matmul %slice3A_147, %slice3A_151, %dot_general3A_152 {dimension_numbers = #tpu.dot_dimension_numbers<[1], [0], [0], [1], [0, 0, 1, 1], [], []>, transpose_lhs_hint = false} : vector<512x64xbf16>, vector<64x2048xbf16>, vector<512x2048xf32> -> vector<512x2048xf32>
    %convert_element_type3A_154 = arith.extf %convert_element_type3A : vector<512x2048xbf16> to vector<512x2048xf32>
    %add3A_155 = arith.addf %convert_element_type3A_154, %dot_general3A_150 : vector<512x2048xf32>
    %convert_element_type3A_156 = arith.extf %convert_element_type3A_11 : vector<512x2048xbf16> to vector<512x2048xf32>
    %add3A_157 = arith.addf %convert_element_type3A_156, %dot_general3A_153 : vector<512x2048xf32>
    %logistic3A_158 = arith.negf %add3A_155 : vector<512x2048xf32>
    %logistic3A_159 = math.exp %logistic3A_158 : vector<512x2048xf32>
    %logistic3A_160 = arith.constant 1.000000e+00 : f32
    %logistic3A_161 = vector.broadcast %logistic3A_160 : f32 to vector<512x2048xf32>
    %logistic3A_162 = arith.addf %logistic3A_161, %logistic3A_159 : vector<512x2048xf32>
    %logistic3A_163 = arith.divf %logistic3A_161, %logistic3A_162 : vector<512x2048xf32>
    %mul3A_164 = arith.mulf %add3A_155, %logistic3A_163 : vector<512x2048xf32>
    %mul3A_165 = arith.mulf %mul3A_164, %add3A_157 : vector<512x2048xf32>
    %slice3A_166 = vector.extract_strided_slice %get3A_31 {offsets = [0, 4], sizes = [512, 1], strides = [1, 1]} : vector<512x8xf32> to vector<512x1xf32>
    %mul3A_167 = vector.broadcast %slice3A_166 : vector<512x1xf32> to vector<512x2048xf32>
    %mul3A_168 = arith.mulf %mul3A_165, %mul3A_167 : vector<512x2048xf32>
    %convert_element_type3A_169 = arith.truncf %mul3A_168 : vector<512x2048xf32> to vector<512x2048xbf16>
    %add3A_170 = arith.addf %add3A_141, %convert_element_type3A_169 : vector<512x2048xbf16>
    %slice3A_171 = vector.extract_strided_slice %get3A_28 {offsets = [0, 256], sizes = [2048, 64], strides = [1, 1]} : vector<2048x512xbf16> to vector<2048x64xbf16>
    %dot_general3A_172 = arith.constant dense<0.000000e+00> : vector<512x64xf32>
    %dot_general3A_173 = tpu.matmul %convert_element_type3A_169, %slice3A_171, %dot_general3A_172 {dimension_numbers = #tpu.dot_dimension_numbers<[1], [0], [0], [1], [0, 0, 1, 1], [], []>, transpose_lhs_hint = false} : vector<512x2048xbf16>, vector<2048x64xbf16>, vector<512x64xf32> -> vector<512x64xf32>
    %convert_element_type3A_174 = arith.truncf %dot_general3A_173 : vector<512x64xf32> to vector<512x64xbf16>
    %slice3A_175 = vector.extract_strided_slice %convert_element_type3A_19 {offsets = [0, 320], sizes = [512, 64], strides = [1, 1]} : vector<512x1024xbf16> to vector<512x64xbf16>
    %slice3A_176 = vector.extract_strided_slice %convert_element_type3A_19 {offsets = [0, 832], sizes = [512, 64], strides = [1, 1]} : vector<512x1024xbf16> to vector<512x64xbf16>
    %slice3A_177 = vector.extract_strided_slice %get3A_22 {offsets = [320, 0], sizes = [64, 2048], strides = [1, 1]} : vector<512x2048xbf16> to vector<64x2048xbf16>
    %dot_general3A_178 = arith.constant dense<0.000000e+00> : vector<512x2048xf32>
    %dot_general3A_179 = tpu.matmul %slice3A_175, %slice3A_177, %dot_general3A_178 {dimension_numbers = #tpu.dot_dimension_numbers<[1], [0], [0], [1], [0, 0, 1, 1], [], []>, transpose_lhs_hint = false} : vector<512x64xbf16>, vector<64x2048xbf16>, vector<512x2048xf32> -> vector<512x2048xf32>
    %slice3A_180 = vector.extract_strided_slice %get3A_25 {offsets = [320, 0], sizes = [64, 2048], strides = [1, 1]} : vector<512x2048xbf16> to vector<64x2048xbf16>
    %dot_general3A_181 = arith.constant dense<0.000000e+00> : vector<512x2048xf32>
    %dot_general3A_182 = tpu.matmul %slice3A_176, %slice3A_180, %dot_general3A_181 {dimension_numbers = #tpu.dot_dimension_numbers<[1], [0], [0], [1], [0, 0, 1, 1], [], []>, transpose_lhs_hint = false} : vector<512x64xbf16>, vector<64x2048xbf16>, vector<512x2048xf32> -> vector<512x2048xf32>
    %convert_element_type3A_183 = arith.extf %convert_element_type3A : vector<512x2048xbf16> to vector<512x2048xf32>
    %add3A_184 = arith.addf %convert_element_type3A_183, %dot_general3A_179 : vector<512x2048xf32>
    %convert_element_type3A_185 = arith.extf %convert_element_type3A_11 : vector<512x2048xbf16> to vector<512x2048xf32>
    %add3A_186 = arith.addf %convert_element_type3A_185, %dot_general3A_182 : vector<512x2048xf32>
    %logistic3A_187 = arith.negf %add3A_184 : vector<512x2048xf32>
    %logistic3A_188 = math.exp %logistic3A_187 : vector<512x2048xf32>
    %logistic3A_189 = arith.constant 1.000000e+00 : f32
    %logistic3A_190 = vector.broadcast %logistic3A_189 : f32 to vector<512x2048xf32>
    %logistic3A_191 = arith.addf %logistic3A_190, %logistic3A_188 : vector<512x2048xf32>
    %logistic3A_192 = arith.divf %logistic3A_190, %logistic3A_191 : vector<512x2048xf32>
    %mul3A_193 = arith.mulf %add3A_184, %logistic3A_192 : vector<512x2048xf32>
    %mul3A_194 = arith.mulf %mul3A_193, %add3A_186 : vector<512x2048xf32>
    %slice3A_195 = vector.extract_strided_slice %get3A_31 {offsets = [0, 5], sizes = [512, 1], strides = [1, 1]} : vector<512x8xf32> to vector<512x1xf32>
    %mul3A_196 = vector.broadcast %slice3A_195 : vector<512x1xf32> to vector<512x2048xf32>
    %mul3A_197 = arith.mulf %mul3A_194, %mul3A_196 : vector<512x2048xf32>
    %convert_element_type3A_198 = arith.truncf %mul3A_197 : vector<512x2048xf32> to vector<512x2048xbf16>
    %add3A_199 = arith.addf %add3A_170, %convert_element_type3A_198 : vector<512x2048xbf16>
    %slice3A_200 = vector.extract_strided_slice %get3A_28 {offsets = [0, 320], sizes = [2048, 64], strides = [1, 1]} : vector<2048x512xbf16> to vector<2048x64xbf16>
    %dot_general3A_201 = arith.constant dense<0.000000e+00> : vector<512x64xf32>
    %dot_general3A_202 = tpu.matmul %convert_element_type3A_198, %slice3A_200, %dot_general3A_201 {dimension_numbers = #tpu.dot_dimension_numbers<[1], [0], [0], [1], [0, 0, 1, 1], [], []>, transpose_lhs_hint = false} : vector<512x2048xbf16>, vector<2048x64xbf16>, vector<512x64xf32> -> vector<512x64xf32>
    %convert_element_type3A_203 = arith.truncf %dot_general3A_202 : vector<512x64xf32> to vector<512x64xbf16>
    %slice3A_204 = vector.extract_strided_slice %convert_element_type3A_19 {offsets = [0, 384], sizes = [512, 64], strides = [1, 1]} : vector<512x1024xbf16> to vector<512x64xbf16>
    %slice3A_205 = vector.extract_strided_slice %convert_element_type3A_19 {offsets = [0, 896], sizes = [512, 64], strides = [1, 1]} : vector<512x1024xbf16> to vector<512x64xbf16>
    %slice3A_206 = vector.extract_strided_slice %get3A_22 {offsets = [384, 0], sizes = [64, 2048], strides = [1, 1]} : vector<512x2048xbf16> to vector<64x2048xbf16>
    %dot_general3A_207 = arith.constant dense<0.000000e+00> : vector<512x2048xf32>
    %dot_general3A_208 = tpu.matmul %slice3A_204, %slice3A_206, %dot_general3A_207 {dimension_numbers = #tpu.dot_dimension_numbers<[1], [0], [0], [1], [0, 0, 1, 1], [], []>, transpose_lhs_hint = false} : vector<512x64xbf16>, vector<64x2048xbf16>, vector<512x2048xf32> -> vector<512x2048xf32>
    %slice3A_209 = vector.extract_strided_slice %get3A_25 {offsets = [384, 0], sizes = [64, 2048], strides = [1, 1]} : vector<512x2048xbf16> to vector<64x2048xbf16>
    %dot_general3A_210 = arith.constant dense<0.000000e+00> : vector<512x2048xf32>
    %dot_general3A_211 = tpu.matmul %slice3A_205, %slice3A_209, %dot_general3A_210 {dimension_numbers = #tpu.dot_dimension_numbers<[1], [0], [0], [1], [0, 0, 1, 1], [], []>, transpose_lhs_hint = false} : vector<512x64xbf16>, vector<64x2048xbf16>, vector<512x2048xf32> -> vector<512x2048xf32>
    %convert_element_type3A_212 = arith.extf %convert_element_type3A : vector<512x2048xbf16> to vector<512x2048xf32>
    %add3A_213 = arith.addf %convert_element_type3A_212, %dot_general3A_208 : vector<512x2048xf32>
    %convert_element_type3A_214 = arith.extf %convert_element_type3A_11 : vector<512x2048xbf16> to vector<512x2048xf32>
    %add3A_215 = arith.addf %convert_element_type3A_214, %dot_general3A_211 : vector<512x2048xf32>
    %logistic3A_216 = arith.negf %add3A_213 : vector<512x2048xf32>
    %logistic3A_217 = math.exp %logistic3A_216 : vector<512x2048xf32>
    %logistic3A_218 = arith.constant 1.000000e+00 : f32
    %logistic3A_219 = vector.broadcast %logistic3A_218 : f32 to vector<512x2048xf32>
    %logistic3A_220 = arith.addf %logistic3A_219, %logistic3A_217 : vector<512x2048xf32>
    %logistic3A_221 = arith.divf %logistic3A_219, %logistic3A_220 : vector<512x2048xf32>
    %mul3A_222 = arith.mulf %add3A_213, %logistic3A_221 : vector<512x2048xf32>
    %mul3A_223 = arith.mulf %mul3A_222, %add3A_215 : vector<512x2048xf32>
    %slice3A_224 = vector.extract_strided_slice %get3A_31 {offsets = [0, 6], sizes = [512, 1], strides = [1, 1]} : vector<512x8xf32> to vector<512x1xf32>
    %mul3A_225 = vector.broadcast %slice3A_224 : vector<512x1xf32> to vector<512x2048xf32>
    %mul3A_226 = arith.mulf %mul3A_223, %mul3A_225 : vector<512x2048xf32>
    %convert_element_type3A_227 = arith.truncf %mul3A_226 : vector<512x2048xf32> to vector<512x2048xbf16>
    %add3A_228 = arith.addf %add3A_199, %convert_element_type3A_227 : vector<512x2048xbf16>
    %slice3A_229 = vector.extract_strided_slice %get3A_28 {offsets = [0, 384], sizes = [2048, 64], strides = [1, 1]} : vector<2048x512xbf16> to vector<2048x64xbf16>
    %dot_general3A_230 = arith.constant dense<0.000000e+00> : vector<512x64xf32>
    %dot_general3A_231 = tpu.matmul %convert_element_type3A_227, %slice3A_229, %dot_general3A_230 {dimension_numbers = #tpu.dot_dimension_numbers<[1], [0], [0], [1], [0, 0, 1, 1], [], []>, transpose_lhs_hint = false} : vector<512x2048xbf16>, vector<2048x64xbf16>, vector<512x64xf32> -> vector<512x64xf32>
    %convert_element_type3A_232 = arith.truncf %dot_general3A_231 : vector<512x64xf32> to vector<512x64xbf16>
    %slice3A_233 = vector.extract_strided_slice %convert_element_type3A_19 {offsets = [0, 448], sizes = [512, 64], strides = [1, 1]} : vector<512x1024xbf16> to vector<512x64xbf16>
    %slice3A_234 = vector.extract_strided_slice %convert_element_type3A_19 {offsets = [0, 960], sizes = [512, 64], strides = [1, 1]} : vector<512x1024xbf16> to vector<512x64xbf16>
    %slice3A_235 = vector.extract_strided_slice %get3A_22 {offsets = [448, 0], sizes = [64, 2048], strides = [1, 1]} : vector<512x2048xbf16> to vector<64x2048xbf16>
    %dot_general3A_236 = arith.constant dense<0.000000e+00> : vector<512x2048xf32>
    %dot_general3A_237 = tpu.matmul %slice3A_233, %slice3A_235, %dot_general3A_236 {dimension_numbers = #tpu.dot_dimension_numbers<[1], [0], [0], [1], [0, 0, 1, 1], [], []>, transpose_lhs_hint = false} : vector<512x64xbf16>, vector<64x2048xbf16>, vector<512x2048xf32> -> vector<512x2048xf32>
    %slice3A_238 = vector.extract_strided_slice %get3A_25 {offsets = [448, 0], sizes = [64, 2048], strides = [1, 1]} : vector<512x2048xbf16> to vector<64x2048xbf16>
    %dot_general3A_239 = arith.constant dense<0.000000e+00> : vector<512x2048xf32>
    %dot_general3A_240 = tpu.matmul %slice3A_234, %slice3A_238, %dot_general3A_239 {dimension_numbers = #tpu.dot_dimension_numbers<[1], [0], [0], [1], [0, 0, 1, 1], [], []>, transpose_lhs_hint = false} : vector<512x64xbf16>, vector<64x2048xbf16>, vector<512x2048xf32> -> vector<512x2048xf32>
    %convert_element_type3A_241 = arith.extf %convert_element_type3A : vector<512x2048xbf16> to vector<512x2048xf32>
    %add3A_242 = arith.addf %convert_element_type3A_241, %dot_general3A_237 : vector<512x2048xf32>
    %convert_element_type3A_243 = arith.extf %convert_element_type3A_11 : vector<512x2048xbf16> to vector<512x2048xf32>
    %add3A_244 = arith.addf %convert_element_type3A_243, %dot_general3A_240 : vector<512x2048xf32>
    %logistic3A_245 = arith.negf %add3A_242 : vector<512x2048xf32>
    %logistic3A_246 = math.exp %logistic3A_245 : vector<512x2048xf32>
    %logistic3A_247 = arith.constant 1.000000e+00 : f32
    %logistic3A_248 = vector.broadcast %logistic3A_247 : f32 to vector<512x2048xf32>
    %logistic3A_249 = arith.addf %logistic3A_248, %logistic3A_246 : vector<512x2048xf32>
    %logistic3A_250 = arith.divf %logistic3A_248, %logistic3A_249 : vector<512x2048xf32>
    %mul3A_251 = arith.mulf %add3A_242, %logistic3A_250 : vector<512x2048xf32>
    %mul3A_252 = arith.mulf %mul3A_251, %add3A_244 : vector<512x2048xf32>
    %slice3A_253 = vector.extract_strided_slice %get3A_31 {offsets = [0, 7], sizes = [512, 1], strides = [1, 1]} : vector<512x8xf32> to vector<512x1xf32>
    %mul3A_254 = vector.broadcast %slice3A_253 : vector<512x1xf32> to vector<512x2048xf32>
    %mul3A_255 = arith.mulf %mul3A_252, %mul3A_254 : vector<512x2048xf32>
    %convert_element_type3A_256 = arith.truncf %mul3A_255 : vector<512x2048xf32> to vector<512x2048xbf16>
    %add3A_257 = arith.addf %add3A_228, %convert_element_type3A_256 : vector<512x2048xbf16>
    %slice3A_258 = vector.extract_strided_slice %get3A_28 {offsets = [0, 448], sizes = [2048, 64], strides = [1, 1]} : vector<2048x512xbf16> to vector<2048x64xbf16>
    %dot_general3A_259 = arith.constant dense<0.000000e+00> : vector<512x64xf32>
    %dot_general3A_260 = tpu.matmul %convert_element_type3A_256, %slice3A_258, %dot_general3A_259 {dimension_numbers = #tpu.dot_dimension_numbers<[1], [0], [0], [1], [0, 0, 1, 1], [], []>, transpose_lhs_hint = false} : vector<512x2048xbf16>, vector<2048x64xbf16>, vector<512x64xf32> -> vector<512x64xf32>
    %convert_element_type3A_261 = arith.truncf %dot_general3A_260 : vector<512x64xf32> to vector<512x64xbf16>
    %concatenate3A = tpu.concatenate %convert_element_type3A_58, %convert_element_type3A_87, %convert_element_type3A_116, %convert_element_type3A_145, %convert_element_type3A_174, %convert_element_type3A_203, %convert_element_type3A_232, %convert_element_type3A_261 in 1 : vector<512x64xbf16>, vector<512x64xbf16>, vector<512x64xbf16>, vector<512x64xbf16>, vector<512x64xbf16>, vector<512x64xbf16>, vector<512x64xbf16>, vector<512x64xbf16> -> vector<512x512xbf16>
    %get3A_262 = arith.constant 0 : index
    %get3A_263 = arith.constant 0 : index
    %get3A_264 = vector.load %arg8[%get3A_262, %get3A_263] : memref<2048x768xbf16, #tpu.memory_space<vmem>>, vector<2048x768xbf16>
    %dot_general3A_265 = arith.constant dense<0.000000e+00> : vector<512x768xf32>
    %dot_general3A_266 = tpu.matmul %add3A_257, %get3A_264, %dot_general3A_265 {dimension_numbers = #tpu.dot_dimension_numbers<[1], [0], [0], [1], [0, 0, 1, 1], [], []>, transpose_lhs_hint = false} : vector<512x2048xbf16>, vector<2048x768xbf16>, vector<512x768xf32> -> vector<512x768xf32>
    %get3A_267 = arith.constant 0 : index
    %get3A_268 = arith.constant 0 : index
    %get3A_269 = vector.load %arg10[%get3A_267, %get3A_268] : memref<512x768xbf16, #tpu.memory_space<vmem>>, vector<512x768xbf16>
    %dot_general3A_270 = arith.constant dense<0.000000e+00> : vector<512x768xf32>
    %dot_general3A_271 = tpu.matmul %concatenate3A, %get3A_269, %dot_general3A_270 {dimension_numbers = #tpu.dot_dimension_numbers<[1], [0], [0], [1], [0, 0, 1, 1], [], []>, transpose_lhs_hint = false} : vector<512x512xbf16>, vector<512x768xbf16>, vector<512x768xf32> -> vector<512x768xf32>
    %mul3A_272 = arith.constant 2.500000e-01 : f32
    %mul3A_273 = vector.broadcast %mul3A_272 : f32 to vector<512x768xf32>
    %mul3A_274 = arith.mulf %mul3A_273, %dot_general3A_271 : vector<512x768xf32>
    %add3A_275 = arith.addf %dot_general3A_266, %mul3A_274 : vector<512x768xf32>
    %swap3A = arith.constant 0 : index
    %swap3A_276 = arith.constant 0 : index
    %swap3A_277 = vector.load %arg11[%swap3A, %swap3A_276] : memref<512x768xf32, #tpu.memory_space<vmem>>, vector<512x768xf32>
    tpu.vector_store %arg11[%swap3A, %swap3A_276], %add3A_275 {strides = array<i32>} : memref<512x768xf32, #tpu.memory_space<vmem>>, vector<512x768xf32>,
    return
  }
  func.func @transform_0(%arg0: i32) -> (i32, i32) {
    %c0_i32 = arith.constant 0 : i32
    %c0_i32_0 = arith.constant 0 : i32
    return %arg0, %c0_i32 : i32, i32
  }
  func.func @transform_1(%arg0: i32) -> (i32, i32) {
    %c0_i32 = arith.constant 0 : i32
    %c0_i32_0 = arith.constant 0 : i32
    return %arg0, %c0_i32 : i32, i32
  }
  func.func @transform_2(%arg0: i32) -> (i32, i32) {
    %c0_i32 = arith.constant 0 : i32
    %c0_i32_0 = arith.constant 0 : i32
    %c0_i32_1 = arith.constant 0 : i32
    return %c0_i32, %c0_i32_0 : i32, i32
  }
  func.func @transform_3(%arg0: i32) -> (i32, i32) {
    %c0_i32 = arith.constant 0 : i32
    %c0_i32_0 = arith.constant 0 : i32
    %c0_i32_1 = arith.constant 0 : i32
    return %c0_i32, %c0_i32_0 : i32, i32
  }
  func.func @transform_4(%arg0: i32) -> (i32, i32) {
    %c0_i32 = arith.constant 0 : i32
    %c0_i32_0 = arith.constant 0 : i32
    %c0_i32_1 = arith.constant 0 : i32
    return %c0_i32, %c0_i32_0 : i32, i32
  }
  func.func @transform_5(%arg0: i32) -> (i32, i32) {
    %c0_i32 = arith.constant 0 : i32
    %c0_i32_0 = arith.constant 0 : i32
    %c0_i32_1 = arith.constant 0 : i32
    return %c0_i32, %c0_i32_0 : i32, i32
  }
  func.func @transform_6(%arg0: i32) -> (i32, i32) {
    %c0_i32 = arith.constant 0 : i32
    %c0_i32_0 = arith.constant 0 : i32
    %c0_i32_1 = arith.constant 0 : i32
    return %c0_i32, %c0_i32_0 : i32, i32
  }
  func.func @transform_7(%arg0: i32) -> (i32, i32) {
    %c0_i32 = arith.constant 0 : i32
    %c0_i32_0 = arith.constant 0 : i32
    %c0_i32_1 = arith.constant 0 : i32
    return %c0_i32, %c0_i32_0 : i32, i32
  }
  func.func @transform_8(%arg0: i32) -> (i32, i32) {
    %c0_i32 = arith.constant 0 : i32
    %c0_i32_0 = arith.constant 0 : i32
    %c0_i32_1 = arith.constant 0 : i32
    return %c0_i32, %c0_i32_0 : i32, i32
  }
  func.func @transform_9(%arg0: i32) -> (i32, i32) {
    %c0_i32 = arith.constant 0 : i32
    %c0_i32_0 = arith.constant 0 : i32
    %c0_i32_1 = arith.constant 0 : i32
    return %c0_i32, %c0_i32_0 : i32, i32
  }
  func.func @transform_10(%arg0: i32) -> (i32, i32) {
    %c0_i32 = arith.constant 0 : i32
    %c0_i32_0 = arith.constant 0 : i32
    return %arg0, %c0_i32 : i32, i32
  }
}

</mosaic_0001>

<sc_bundles>
// kernel: kernel.6.cloned.1.call-start
scs
__scs_entry_jumppad:
0x0: {  	(pc) =	sbr.rel $0x88, $3  }
0x1: {  	(tag) =	ssettag $0x0;
	lr =	simm.s32 $0x1  }
0x2: {  	[smem:$0x3F94] =	sst lr;
	_ =	strace $0xD0000000  }
0x3: {  	_ = 	snop  }
0x4: {  	_ = 	snop  }
0x5: {  	_ = 	snop  }
0x6: {  	_ = 	snop  }
0x7: {  	_ = 	snop  }
__scs_overlays_trampoline_lowered:
0x8: {  	[smem:$0x3FA3] =	sst s0  }
0x9: {  	[smem:$0x3FA4] =	sst s1  }
0xa: {  	[smem:$0x3FA5] =	sst s2  }
0xb: {  	[smem:$0x3FA6] =	sst s3  }
0xc: {  	[smem:$0x3FA7] =	sst s4  }
0xd: {  	[smem:$0x3FA8] =	sst s5  }
0xe: {  	[smem:$0x3FA9] =	sst s6  }
0xf: {  	[smem:$0x3FAA] =	sst s7  }
0x10: {  	[smem:$0x3FAB] =	sst s8  }
0x11: {  	[smem:$0x3FAC] =	sst s9;
	s0 =	simm.s32 @!p0 $0x0  }
0x12: {  	s1 =	sld [smem:$0x3F92];
	s0 =	simm.s32 @p0 $0x1  }
0x13: {  	[smem:$0x3FAD] =	sst s0;
	s0 =	simm.s32 @!p1 $0x0  }
0x14: {  	s2 =	sld [smem:$0x3F91];
	s0 =	simm.s32 @p1 $0x1  }
0x15: {  	[smem:$0x3FAE] =	sst s0;
	s0 =	simm.s32 @!p2 $0x0  }
0x16: {  	s3 =	sld [smem:$0x3FDB];
	s0 =	simm.s32 @p2 $0x1  }
0x17: {  	s4 =	simm.s32 $0x1BF5;
	[smem:$0x3FB0] =	sst s0  }
0x18: {  	s0 =	sld [smem:$0x3F93];
	_ =	swait.ge [sflag:s4], $0x0  }
0x19: {  	s7 =	sld [smem:$0x3F94]  }
0x1a: {  	s8 =	sadd.s32 $0xFFFFE003, lr  }
0x1b: {  	s9 =	sadd.s32 $0xFFFFFEF7, lr;
	s5 =	simm.s32 $0xFFFFFFFF;
	p2 =	slt.u32 s8, $0xFFFFF086  }
0x1c: {  	p1 =	slt.u32 s9, $0xF7A;
	s5 =	simm.s32 @!p2 $0x0  }
0x1d: {  	s5 =	simm.s32 @p1 $0x1;
	p0 =	seq.s32 s7, s2  }
0x1e: {  	s7 =	smul.u32 @!p0 $0xF7A, s2;
	p2 =	seq.s32 @!p0 s5, $0x0  }
0x1f: {  	s9 =	smul.u32 $0xF7A, s1;
	s8 =	simm.s32 @!p0 $0x1BF5;
	p2 =	por !p2, p0  }
0x20: {  	[sflag:s8] =	ssyncset.s32 @!p0 $0xFFFFF086;
	s6 =	sadd.s32 @!p0 s3, s7;
	s7 =	simm.s32 @!p0 $0x108  }
0x21: {  	s3 =	sadd.s32 s3, s9;
	s6 =	sadd.s32 @!p0 $0x88, s6;
	s7 =	simm.s32 @p2 $0x1082  }
0x22: {  	[simem:s7], [sflag:s8] =	dma.local @!p0 [hbm:s6], $0xF7A  }
0x23: {  	s9 =	sor.u32 $0xD0000000, s2;
	s6 =	simm.s32 $0x108;
	_ =	swait.ge @!p0 [sflag:s8], $0x0  }
0x24: {  	s3 =	sadd.s32 $0x88, s3;
	s6 =	simm.s32 @!p1 $0x1082;
	[sflag:s4] =	ssyncset.s32 $0xFFFFF086  }
0x25: {  	[simem:s6], [sflag:s4] =	dma.local [hbm:s3], $0xF7A  }
0x26: {  	[smem:$0x3F94] =	sst s1;
	(tag) =	ssettag s2;
	_ =	strace s9  }
0x27: {  	s1 =	sld [smem:$0x3FA4]  }
0x28: {  	s2 =	sld [smem:$0x3FA5]  }
0x29: {  	s4 =	sld [smem:$0x3FA7]  }
0x2a: {  	p0 =	seq.s32 s5, $0x0;
	s5 =	sld [smem:$0x3FA8]  }
0x2b: {  	s6 =	sld [smem:$0x3FA9]  }
0x2c: {  	s7 =	sld [smem:$0x3FAA]  }
0x2d: {  	s3 =	simm.s32 $0x108;
	s8 =	sld [smem:$0x3FAB]  }
0x2e: {  	s3 =	simm.s32 @!p0 $0x1082;
	s9 =	sld [smem:$0x3FAC]  }
0x2f: {  	lr =	sadd.s32 s0, s3;
	s0 =	sld [smem:$0x3FA3]  }
0x30: {  	s3 =	sld [smem:$0x3FA6]  }
0x31: {  	[smem:$0x3FAF] =	sst s10  }
0x32: {  	s10 =	sld [smem:$0x3FAD];
	_ =	sdelay $0x3  }
0x33: {  	p0 =	seq.s32 s10, $0x1;
	s10 =	sld [smem:$0x3FAF];
	_ =	sdelay $0x3  }
0x34: {  	[smem:$0x3FAF] =	sst s10  }
0x35: {  	s10 =	sld [smem:$0x3FAE];
	_ =	sdelay $0x3  }
0x36: {  	p1 =	seq.s32 s10, $0x1;
	s10 =	sld [smem:$0x3FAF];
	_ =	sdelay $0x3  }
0x37: {  	[smem:$0x3FAF] =	sst s10  }
0x38: {  	s10 =	sld [smem:$0x3FB0]  }
0x39: {  	_ = 	snop;
	(pc) =	sbr.ind lr, $3  }
0x3a: {  	_ = 	snop  }
0x3b: {  	_ = 	snop  }
0x3c: {  	p2 =	seq.s32 s10, $0x1;
	s10 =	sld [smem:$0x3FAF]  }
0x3d: {  	_ =	shalt  }
0x3e: {  	_ =	shalt  }
0x3f: {  	_ =	shalt  }
0x40: {  	_ =	shalt  }
0x41: {  	_ =	shalt  }
0x42: {  	_ =	shalt  }
0x43: {  	_ =	shalt  }
0x44: {  	_ =	shalt  }
0x45: {  	_ =	shalt  }
0x46: {  	_ =	shalt  }
0x47: {  	_ =	shalt  }
0x48: {  	_ =	shalt  }
0x49: {  	_ =	shalt  }
0x4a: {  	_ =	shalt  }
0x4b: {  	_ =	shalt  }
0x4c: {  	_ =	shalt  }
0x4d: {  	_ =	shalt  }
0x4e: {  	_ =	shalt  }
0x4f: {  	_ =	shalt  }
0x50: {  	_ =	shalt  }
0x51: {  	_ =	shalt  }
0x52: {  	_ =	shalt  }
0x53: {  	_ =	shalt  }
0x54: {  	_ =	shalt  }
0x55: {  	_ =	shalt  }
0x56: {  	_ =	shalt  }
0x57: {  	_ =	shalt  }
0x58: {  	_ =	shalt  }
0x59: {  	_ =	shalt  }
0x5a: {  	_ =	shalt  }
0x5b: {  	_ =	shalt  }
0x5c: {  	_ =	shalt  }
0x5d: {  	_ =	shalt  }
0x5e: {  	_ =	shalt  }
0x5f: {  	_ =	shalt  }
0x60: {  	_ =	shalt  }
0x61: {  	_ =	shalt  }
0x62: {  	_ =	shalt  }
0x63: {  	_ =	shalt  }
0x64: {  	_ =	shalt  }
0x65: {  	_ =	shalt  }
0x66: {  	_ =	shalt  }
0x67: {  	_ =	shalt  }
0x68: {  	_ =	shalt  }
0x69: {  	_ =	shalt  }
0x6a: {  	_ =	shalt  }
0x6b: {  	_ =	shalt  }
0x6c: {  	_ =	shalt  }
0x6d: {  	_ =	shalt  }
0x6e: {  	_ =	shalt  }
0x6f: {  	_ =	shalt  }
0x70: {  	_ =	shalt  }
0x71: {  	_ =	shalt  }
0x72: {  	_ =	shalt  }
0x73: {  	_ =	shalt  }
0x74: {  	_ =	shalt  }
0x75: {  	_ =	shalt  }
0x76: {  	_ =	shalt  }
0x77: {  	_ =	shalt  }
0x78: {  	_ =	shalt  }
0x79: {  	_ =	shalt  }
0x7a: {  	_ =	shalt  }
0x7b: {  	_ =	shalt  }
0x7c: {  	_ =	shalt  }
0x7d: {  	_ =	shalt  }
0x7e: {  	_ =	shalt  }
0x7f: {  	_ =	shalt  }
0x80: {  	_ =	shalt  }
0x81: {  	_ =	shalt  }
0x82: {  	_ =	shalt  }
0x83: {  	_ =	shalt  }
0x84: {  	_ =	shalt  }
0x85: {  	_ =	shalt  }
0x86: {  	_ =	shalt  }
0x87: {  	_ =	shalt  }
.Lfunc_end0:
.L_simem_size_0:
called_computation_lowered:
.L_overlay_start_0:
0x88: {  	s2 =	sld [smem:$0x3FD9]  }
0x89: {  	s3 =	sld [smem:$0x3FFE];
	_ =	sdelay $0x1  }
0x8a: {  	s1 =	srdreg.scid  }
0x8b: {  	s0 =	sand.u32 $0x1, s1  }
0x8c: {  	s17 =	sshll.u32 s0, $0xA;
	s2 =	sadd.s32 s3, s2  }
0x8d: {  	s2 =	sadd.s32 s2, s17  }
0x8e: {  	[smem:$0x3FBB] =	sst s2  }
0x8f: {  	_ = 	snop  }
0x90: {  	s2 =	sld [smem:$0x3FD0];
	(tm) =	ssettm $0x1  }
0x91: {  	s18 =	sld [smem:$0x3FFB];
	_ =	sdelay $0x3  }
0x92: {  	_ =	strace s18  }
0x93: {  	s3 =	sld [smem:$0x3FFC];
	_ =	sdelay $0x3  }
0x94: {  	_ =	strace s3  }
0x95: {  	s3 =	sld [smem:$0x3FFD];
	_ =	sdelay $0x3  }
0x96: {  	_ =	strace s3  }
0x97: {  	_ =	strace $0x8FFFFFFF  }
0x98: {  	s19 =	sld [smem:$0x3FDB];
	_ =	sdelay $0x1  }
0x99: {  	s4 =	simm.s32 $_scs_section_size  }
0x9a: {  	s5 =	simm.s32 $_size__tile_overlayer_lowered;
	s6 =	simm.s32 $_tile_overlayer_lowered  }
0x9b: {  	s22 =	simm.s32 $0x1BFF;
	s21 =	sshll.u32 s6, $0x1;
	s3 =	sadd.s32 s4, s19  }
0x9c: {  	s7 =	simm.s32 $0x0;
	s20 =	sshll.u32 s5, $0x1;
	s5 =	sadd.s32 s21, s3  }
0x9d: {  	[timem:s7], [sflag:s22] =	dma.local [hbm:s5], s20  }
0x9e: {  	_ =	swait.ge [sflag:s22], s20  }
0x9f: {  	s4 =	ssub.s32 $0x0, s20;
	[sflag:s22] =	ssyncset.done $0x0  }
0xa0: {  	[sflag:s22] =	ssyncadd.s32 s4;
	_ =	sdelay $0x1  }
0xa1: {  	s23 =	simm.s32 $0x1B8B  }
0xa2: {  	_ =	swait.ge [sflag:s23], $0x1  }
0xa3: {  	[sflag:s23] =	ssyncset.done $0x0  }
0xa4: {  	s25 =	simm.s32 $0x1B8E;
	s24 =	sld [smem:$0x3FFE];
	[sflag:s23] =	ssyncadd.s32 $0xFFFFFFFF  }
0xa5: {  	s26 =	simm.s32 $execute0_lowered;
	[smem:$0x3FD2] =	sst s25  }
0xa6: {  	s5 =	sshll.u32 s26, $0x1;
	_ =	strace $0x80000046;
	[dreg:$0x1] =	wrdreg $0xFFFFFFFF  }
0xa7: {  	s28 =	simm.s32 $_size_execute0_lowered;
	s3 =	sadd.s32 s3, s5;
	[dreg:$0x0] =	wrdreg $0x0  }
0xa8: {  	s5 =	sshll.u32 s28, $0x1;
	[dreg:$0x2] =	wrdreg s3  }
0xa9: {  	[dreg:$0x3] =	wrdreg s5  }
0xaa: {  	[dreg:$0x4] =	wrdreg $0xC0  }
0xab: {  	_ =	task [dreg:s7], $0x5FFFF  }
0xac: {  	[dreg:$0x1] =	wrdreg $0xFFFFFFFF  }
0xad: {  	[dreg:$0x0] =	wrdreg $0x60  }
0xae: {  	[dreg:$0x2] =	wrdreg s2  }
0xaf: {  	[dreg:$0x3] =	wrdreg s24  }
0xb0: {  	[dreg:$0x4] =	wrdreg $0x9  }
0xb1: {  	_ =	task.clear_ibuf [dreg:s7], $0x5FFFF;
	_ =	strace $0x90000046  }
0xb2: {  	s29 =	simm.s32 $0x9;
	_ =	strace $0x80000048  }
0xb3: {  	_ =	swait.ge [sflag:s29], $0x1  }
0xb4: {  	[sflag:s29] =	ssyncadd.s32 $0xFFFFFFFF  }
0xb5: {  	_ =	strace $0x90000048  }
0xb6: {  	_ =	sfence  }
0xb7: {  	s30 =	sld [smem:$0x0];
	_ =	sdelay $0x2  }
0xb8: {  	s31 =	sshll.u32 s1, $0xD;
	s1 =	sshrl.u32 s1, $0x2  }
0xb9: {  	s3 =	sand.u32 $0x4000, s31;
	s1 =	sadd.s32 s1, s30  }
0xba: {  	s0 =	sor.u32 s3, s0;
	s1 =	sshll.u32 s1, $0x11  }
0xbb: {  	s0 =	sor.u32 s1, s0  }
0xbc: {  	s0 =	sadd.s32 $0x8F2B, s0  }
0xbd: {  	[sflag:s0] =	ssyncadd.remote.s32 $0x1  }
0xbe: {  	_ =	sfence.sel $0xFFFF  }
0xbf: {  	[dreg:$0x0] =	wrdreg $0xFFFFFFFF;
	(pc) =	sbr.abs _section_cstart, $3  }
0xc0: {  	[dreg:$0x1] =	wrdreg $0xFFFFFFFF  }
0xc1: {  	_ =	task.clear_ibuf [dreg:s7], $0x2FFFF;
	_ =	strace $0x9FFFFFFF  }
0xc2: {  	(tm) =	ssettm $0x7FFFFFFF  }
0xc3: {  	_ =	shalt  }
tec
execute0_lowered:
.L_overlay_start_1:
0x0: {  	(tag) =	ssettag $0x1  }
0x1: {  	s3 =	rddreg [dreg:$0x0]  }
0x2: {  	s4 =	rddreg [dreg:$0x1];
	s2 =	srdreg.scid  }
0x3: {  	s0 =	rddreg [dreg:$0x2];
	s1 =	stileid.u32;
	s5 =	sand.u32 $0x1, s2  }
0x4: {  	s2 =	simm.s32 $0x0;
	s6 =	sshll.u32 s1, $0x7;
	s7 =	sshll.u32 s5, $0x6  }
0x5: {  	[smem:$0x7FF] =	sst s2;
	s5 =	ssub.s32 $0x2, s5;
	s6 =	sor.u32 s7, s6  }
0x6: {  	_ =	strace $0x80000047;
	s31 =	sshrl.u32 s5, $0x1;
	s7 =	simm.s32 $0x200  }
0x7: {  	s4 =	sadd.s32 s6, s4;
	s5 =	ssub.s32 s5, s31;
	s3 =	sadd.s32 s3, s6  }
0x8: {  	v0 =	vimm.s32 $0xFFFFFFFF;
	v1 =	vimm.s32 $0x0;
	s6 =	simm.s32 $0x1;
	s4 =	sadd.s32 $0x1800, s4;
	s5 =	smax.u32 s5, $0x1  }
.LBB2_1:
0x9: {  	[tilespmem:s2], [sflag:$0x1] =	stream.linear.gather [hbm4b:s3+s2], $0x200, $0x38;
	[tilespmem:$0x400] =	vst v63  }
0xa: {  	_ =	swait.ge [sflag:s6], $0x200  }
0xb: {  	[sflag:s6] =	ssyncset.done $0x0  }
0xc: {  	[sflag:s6] =	ssyncadd.s32 $0xFFFFFE00  }
0xd: {  	v2 =	vld [tilespmem:$0x40];
	_ =	sdelay $0x1  }
0xe: {  	v3 =	vld [tilespmem:$0x0];
	_ =	sdelay $0x1  }
0xf: {  	v4 =	vld [tilespmem:$0x80]  }
0x10: {  	vm0 =	vlt.f32 v2, $-Inf;
	vm1 =	vgt.f32 v2, $-Inf  }
0x11: {  	vm1 =	vmor vm1, vm0  }
0x12: {  	v5 =	vld [tilespmem:$0xC0];
	vm0 =	vgt.f32 v2, v3;
	v6 =	vnsel vm1, $0xFF800000, v2  }
0x13: {  	v6 =	vsel vm0, v3, v6  }
0x14: {  	v2 =	vsel vm0, v2, v3;
	vm13 =	vgt.f32 v4, v6  }
0x15: {  	v3 =	vld [tilespmem:$0x100];
	vm4 =	vgt.f32 v4, v2;
	v6 =	vsel vm13, v4, v6  }
0x16: {  	v6 =	vsel vm4, v2, v6  }
0x17: {  	v2 =	vsel vm4, v4, v2;
	vm7 =	vgt.f32 v5, v6  }
0x18: {  	v60 =	vld [tilespmem:$0x140];
	vm11 =	vgt.f32 v5, v2;
	v6 =	vsel vm7, v5, v6  }
0x19: {  	v6 =	vsel vm11, v2, v6  }
0x1a: {  	v2 =	vsel vm11, v5, v2;
	vm12 =	vgt.f32 v3, v6  }
0x1b: {  	v61 =	vld [tilespmem:$0x180];
	vm5 =	vgt.f32 v3, v2;
	v6 =	vsel vm12, v3, v6  }
0x1c: {  	v6 =	vsel vm5, v2, v6  }
0x1d: {  	v2 =	vsel vm5, v3, v2;
	vm10 =	vgt.f32 v60, v6  }
0x1e: {  	v3 =	vld [tilespmem:$0x1C0];
	vm6 =	vgt.f32 v60, v2;
	v6 =	vsel vm10, v60, v6  }
0x1f: {  	v6 =	vsel vm6, v2, v6  }
0x20: {  	v2 =	vsel vm6, v60, v2;
	vm8 =	vgt.f32 v61, v6  }
0x21: {  	vm3 =	vgt.f32 v61, v2;
	v62 =	vsel vm8, v61, v6  }
0x22: {  	v4 =	vsel vm3, v2, v62;
	v2 =	vsel vm3, v61, v2  }
0x23: {  	vm2 =	vgt.f32 v3, v2;
	vm15 =	vgt.f32 v3, v4  }
0x24: {  	vm9 =	vmneg vm2;
	v4 =	vsel vm15, v3, v4  }
0x25: {  	v4 =	vsel vm9, v4, v2;
	v2 =	vsel vm9, v2, v3  }
0x26: {  	v2 =	vsub.f32 v4, v2;
	_ =	sdelay $0x1  }
0x27: {  	v3 =	vld [tilespmem:$0x50];
	v2 =	vmul.f32 $1.442695020e+00, v2  }
0x28: {  	v7 =	vimm.s32 $0x0;
	v20 =	vimm.s32 $0x0  }
0x29: {  	v34 =	vimm.s32 $0x0;
	v36 =	vimm.s32 $0x0;
	(erf) = vpow2.f32 v2;
	v2 =	vld [tilespmem:$0x10]  }
0x2a: {  	v40 =	vimm.s32 $0x0;
	v45 =	vimm.s32 $0x0;
	v12 =	vsel vm1, $0x1, v0  }
0x2b: {  	v55 =	vimm.s32 $0x0;
	v63 =	vld [tilespmem:$0x90];
	v13 =	vsel vm0, $0x1, v1;
	v5 =	vsel vm0, $0x0, v12  }
0x2c: {  	v5 =	vsel vm13, $0x2, v5;
	vm1 =	vlt.f32 v3, $-Inf;
	vm14 =	vgt.f32 v3, $-Inf  }
0x2d: {  	v59 =	vimm.s32 $0x0;
	v5 =	vsel vm4, v13, v5;
	vm14 =	vmor vm14, vm1  }
0x2e: {  	v5 =	vsel vm7, $0x3, v5;
	v8 =	vnsel vm14, $0xFF800000, v3;
	vm2 =	vgt.f32 v3, v2  }
0x2f: {  	v14 =	vld [tilespmem:$0xD0];
	v6 =	vsel vm4, $0x2, v13;
	v7 =	vsel vm14, $0xFFFFFFFF, v7;
	v8 =	vsel vm2, v2, v8  }
0x30: {  	v2 =	vsel vm2, v3, v2;
	v3 =	vimm.s32 $0x0;
	vm14 =	vgt.f32 v63, v8  }
0x31: {  	v61 =	vimm.s32 $0x0;
	vm4 =	vgt.f32 v63, v2;
	v3 =	vsel vm14, $0xFFFFFFFF, v3  }
0x32: {  	v9 =	vld [tilespmem:$0x110];
	v8 =	vsel vm14, v63, v8;
	[tilespmem:$0x1FF50] =	vst v3;
	v3 =	vsel vm11, v6, v5;
	v15 =	vpop (erf);
	v6 =	vsel vm11, $0x3, v6  }
0x33: {  	v8 =	vsel vm4, v2, v8;
	v2 =	vsel vm4, v63, v2;
	v10 =	vadd.f32 $1.000000000e+00, v15  }
0x34: {  	v3 =	vsel vm12, $0x4, v3;
	vm14 =	vgt.f32 v14, v8;
	vm13 =	vgt.f32 v14, v2  }
0x35: {  	v16 =	vld [tilespmem:$0x150];
	v8 =	vsel vm14, v14, v8;
	v3 =	vsel vm5, v6, v3;
	v6 =	vsel vm5, $0x4, v6  }
0x36: {  	(erf) = vrcp.f32 v10;
	v8 =	vsel vm13, v2, v8;
	v2 =	vsel vm13, v14, v2  }
0x37: {  	v3 =	vsel vm10, $0x5, v3;
	vm7 =	vgt.f32 v9, v8;
	vm5 =	vgt.f32 v9, v2  }
0x38: {  	v17 =	vld [tilespmem:$0x190];
	v3 =	vsel vm6, v6, v3;
	v6 =	vsel vm6, $0x5, v6;
	v8 =	vsel vm7, v9, v8  }
0x39: {  	v3 =	vsel vm8, $0x6, v3;
	v8 =	vsel vm5, v2, v8;
	v2 =	vsel vm5, v9, v2  }
0x3a: {  	v3 =	vsel vm3, v6, v3;
	v6 =	vsel vm3, $0x6, v6;
	vm10 =	vgt.f32 v16, v8  }
0x3b: {  	v18 =	vld [tilespmem:$0x1D0];
	vm8 =	vgt.f32 v16, v2;
	v3 =	vsel vm15, $0x7, v3;
	v8 =	vsel vm10, v16, v8  }
0x3c: {  	v30 =	vsel vm2, $0x1, v1;
	v19 =	vsel vm9, v3, v6;
	v8 =	vsel vm8, v2, v8  }
0x3d: {  	v6 =	vnsel vm9, $0x7, v6;
	v2 =	vsel vm8, v16, v2;
	vm12 =	vgt.f32 v17, v8  }
0x3e: {  	vm6 =	veq.s32 v19, $0x0;
	vm11 =	vgt.f32 v17, v2;
	v3 =	vsel vm12, v17, v8  }
0x3f: {  	vm1 =	veq.s32 v6, $0x1;
	v11 =	vpop (erf);
	v3 =	vsel vm11, v2, v3;
	v2 =	vsel vm11, v17, v2  }
0x40: {  	v12 =	vmul.f32 v11, v15;
	vm0 =	vgt.f32 v18, v2;
	vm15 =	vgt.f32 v18, v3  }
0x41: {  	v26 =	vld [tilespmem:$0x60];
	v4 =	vsel vm15, $0xFFFFFFFF, v20;
	v3 =	vsel vm15, v18, v3;
	vm15 =	veq.s32 v19, $0x1  }
0x42: {  	v14 =	vld [tilespmem:$0x20];
	v21 =	vnsel vm6, $0x0, v12;
	vm6 =	vmneg vm0;
	v5 =	vnsel vm15, $0x0, v12  }
0x43: {  	vm0 =	veq.s32 v6, $0x0;
	vm15 =	veq.s32 v19, $0x2;
	v3 =	vsel vm6, v3, v2  }
0x44: {  	[tilespmem:$0x1FF40] =	vst v7;
	v2 =	vsel vm6, v2, v18;
	v7 =	vsel vm0, v11, v21;
	v22 =	vnsel vm15, $0x0, v12  }
0x45: {  	vm0 =	veq.s32 v6, $0x2;
	vm15 =	veq.s32 v19, $0x3;
	v21 =	vimm.s32 $0x0  }
0x46: {  	v3 =	vsub.f32 v3, v2;
	v24 =	vnsel vm15, $0x0, v12;
	vm15 =	veq.s32 v6, $0x3  }
0x47: {  	[tilespmem:$0x1FF60] =	vst v4;
	v2 =	vsel vm1, v11, v5;
	vm1 =	vgt.f32 v26, v14;
	v4 =	vsel vm15, v11, v24  }
0x48: {  	v28 =	vld [tilespmem:$0x1FF40];
	vm15 =	veq.s32 v19, $0x4;
	v9 =	vsel vm1, v26, v14;
	v24 =	vsel vm1, $0x1, v1  }
0x49: {  	v23 =	vmul.f32 $1.442695020e+00, v3;
	v3 =	vsel vm0, v11, v22;
	v25 =	vnsel vm15, $0x0, v12  }
0x4a: {  	v16 =	vld [tilespmem:$0x1FF50];
	vm0 =	veq.s32 v6, $0x4;
	vm15 =	veq.s32 v19, $0x5;
	v22 =	vimm.s32 $0x0  }
0x4b: {  	v5 =	vsel vm0, v11, v25;
	v27 =	vnsel vm15, $0x0, v12;
	vm15 =	veq.s32 v19, $0x6  }
0x4c: {  	(erf) = vpow2.f32 v23;
	v13 =	vnsel vm15, $0x0, v12;
	vm15 =	veq.s32 v6, $0x5  }
0x4d: {  	v15 =	vld [tilespmem:$0xA0];
	vm0 =	vmand vm3, vm9;
	v8 =	vsel vm15, v11, v27;
	vm15 =	vnez.u8 v28  }
0x4e: {  	vm3 =	veq.s32 v19, $0x7;
	v6 =	vsel vm0, v11, v13;
	v13 =	vsel vm15, $0x1, v0  }
0x4f: {  	v12 =	vnsel vm3, $0x0, v12;
	vm15 =	vnez.u8 v16;
	v29 =	vsel vm2, $0x0, v13  }
0x50: {  	vm0 =	vlt.f32 v26, $-Inf;
	v10 =	vsel vm15, $0x2, v29;
	vm15 =	vgt.f32 v26, $-Inf  }
0x51: {  	v13 =	vsel vm4, $0x2, v30;
	v10 =	vsel vm4, v30, v10;
	vm0 =	vmor vm15, vm0  }
0x52: {  	v31 =	vld [tilespmem:$0xE0];
	vm4 =	vgt.f32 v15, v9;
	v10 =	vsel vm14, $0x3, v10;
	v17 =	vnsel vm0, $0xFF800000, v26  }
0x53: {  	v42 =	vld [tilespmem:$0x70];
	v60 =	vsel vm0, $0x1, v0;
	v10 =	vsel vm13, v13, v10;
	v17 =	vsel vm1, v14, v17  }
0x54: {  	v13 =	vsel vm13, $0x3, v13;
	vm14 =	vgt.f32 v15, v17;
	v10 =	vsel vm7, $0x4, v10  }
0x55: {  	v41 =	vld [tilespmem:$0x1FF60];
	v18 =	vpop (erf);
	v17 =	vsel vm14, v15, v17;
	v10 =	vsel vm5, v13, v10;
	v13 =	vsel vm5, $0x4, v13  }
0x56: {  	v32 =	vld [tilespmem:$0x120];
	v19 =	vadd.f32 $1.000000000e+00, v18;
	v17 =	vsel vm4, v9, v17;
	v9 =	vsel vm4, v15, v9  }
0x57: {  	v10 =	vsel vm10, $0x5, v10;
	vm5 =	vgt.f32 v31, v17;
	vm7 =	vgt.f32 v31, v9  }
0x58: {  	v10 =	vsel vm8, v13, v10;
	v13 =	vsel vm8, $0x5, v13;
	vm8 =	vlt.f32 v42, $-Inf  }
0x59: {  	v33 =	vld [tilespmem:$0x160];
	(erf) = vrcp.f32 v19;
	v17 =	vsel vm5, v31, v17;
	v16 =	vsel vm7, v31, v9  }
0x5a: {  	v10 =	vsel vm12, $0x6, v10;
	v38 =	vsel vm11, $0x6, v13;
	vm12 =	vnez.u8 v41  }
0x5b: {  	v17 =	vsel vm7, v9, v17;
	vm10 =	vgt.f32 v32, v16;
	v10 =	vsel vm11, v13, v10  }
0x5c: {  	v47 =	vld [tilespmem:$0x30];
	vm15 =	vgt.f32 v32, v17;
	v14 =	vsel vm10, v32, v16;
	v10 =	vsel vm12, $0x7, v10  }
0x5d: {  	vm12 =	vgt.f32 v42, $-Inf;
	v9 =	vsel vm15, $0xFFFFFFFF, v34;
	v17 =	vsel vm15, v32, v17  }
0x5e: {  	vm15 =	vgt.f32 v33, v14;
	v10 =	vsel vm6, v10, v38;
	vm8 =	vmor vm12, vm8  }
0x5f: {  	v35 =	vld [tilespmem:$0x1A0];
	[tilespmem:$0x1FF70] =	vst v9;
	v9 =	vsel vm9, v12, v11;
	v11 =	vsel vm11, $0xFFFFFFFF, v36;
	v37 =	vsel vm10, v16, v17  }
0x60: {  	v21 =	vsel vm8, $0xFFFFFFFF, v21;
	v12 =	vnsel vm6, $0x7, v38;
	v49 =	vnsel vm8, $0xFF800000, v42  }
0x61: {  	v39 =	vld [tilespmem:$0x1E0];
	vm8 =	vgt.f32 v42, v47;
	vm12 =	veq.s32 v10, $0x1;
	vm11 =	vgt.f32 v33, v37  }
0x62: {  	[tilespmem:$0x1FFA0] =	vst v11;
	vm9 =	veq.s32 v12, $0x0;
	v16 =	vsel vm11, $0xFFFFFFFF, v40;
	v11 =	vsel vm11, v33, v37  }
0x63: {  	vm11 =	veq.s32 v10, $0x0;
	v11 =	vsel vm15, v14, v11;
	v14 =	vsel vm15, v33, v14  }
0x64: {  	v48 =	vld [tilespmem:$0xB0];
	[tilespmem:$0x1FF80] =	vst v16;
	v16 =	vsel vm8, v42, v47;
	vm3 =	vgt.f32 v35, v14;
	vm13 =	vgt.f32 v35, v11;
	v43 =	vpop (erf)  }
0x65: {  	v11 =	vsel vm13, v35, v11;
	v46 =	vsel vm3, v35, v14;
	v44 =	vmul.f32 v43, v18  }
0x66: {  	v18 =	vsel vm13, $0xFFFFFFFF, v45;
	v11 =	vsel vm3, v14, v11;
	vm2 =	vgt.f32 v39, v46  }
0x67: {  	v50 =	vld [tilespmem:$0xF0];
	vm13 =	vgt.f32 v39, v11;
	vm2 =	vmneg vm2;
	v20 =	vnsel vm11, $0x0, v44  }
0x68: {  	v11 =	vsel vm13, v39, v11;
	v13 =	vsel vm2, v46, v39;
	v51 =	vnsel vm12, $0x0, v44  }
0x69: {  	vm11 =	vgt.f32 v48, v16;
	v39 =	vsel vm8, $0x1, v1;
	v11 =	vsel vm2, v11, v46  }
0x6a: {  	v20 =	vsel vm9, v43, v20;
	vm9 =	veq.s32 v12, $0x1;
	v54 =	vsel vm11, v48, v16  }
0x6b: {  	v15 =	vsel vm11, $0x2, v39;
	v11 =	vsub.f32 v11, v13;
	v13 =	vsel vm8, v47, v49  }
0x6c: {  	[tilespmem:$0x1FFB0] =	vst v21;
	v21 =	vsel vm9, v43, v51;
	vm9 =	vgt.f32 v50, v54;
	vm12 =	vgt.f32 v48, v13  }
0x6d: {  	v52 =	vld [tilespmem:$0x130];
	v46 =	vsel vm9, $0x3, v15;
	v11 =	vmul.f32 $1.442695020e+00, v11;
	v13 =	vsel vm12, v48, v13  }
0x6e: {  	v22 =	vsel vm12, $0xFFFFFFFF, v22;
	vm12 =	veq.s32 v10, $0x2;
	v13 =	vsel vm11, v16, v13  }
0x6f: {  	v53 =	vnsel vm12, $0x0, v44;
	(erf) = vpow2.f32 v11;
	vm12 =	vgt.f32 v50, v13  }
0x70: {  	v56 =	vld [tilespmem:$0x170];
	v14 =	vsel vm12, $0xFFFFFFFF, v55;
	v13 =	vsel vm12, v50, v13;
	vm12 =	veq.s32 v12, $0x2  }
0x71: {  	v57 =	vsel vm12, v43, v53;
	v13 =	vsel vm9, v54, v13;
	vm12 =	veq.s32 v10, $0x3  }
0x72: {  	[tilespmem:$0x3C0] =	vst v9;
	v11 =	vsel vm9, v50, v54;
	v58 =	vnsel vm12, $0x0, v44;
	vm12 =	vgt.f32 v52, v13  }
0x73: {  	v23 =	vld [tilespmem:$0x1B0];
	[tilespmem:$0x1FF90] =	vst v18;
	vm0 =	vgt.f32 v52, v11;
	v18 =	vsel vm12, $0xFFFFFFFF, v59;
	v13 =	vsel vm12, v52, v13  }
0x74: {  	v9 =	vsel vm0, $0x4, v46;
	[tilespmem:$0x1FFE0] =	vst v18;
	v18 =	vsel vm1, $0x0, v60;
	v13 =	vsel vm0, v11, v13  }
0x75: {  	v11 =	vsel vm0, v52, v11;
	v18 =	vsel vm14, $0x2, v18;
	vm14 =	vgt.f32 v56, v13  }
0x76: {  	v62 =	vld [tilespmem:$0x1F0];
	vm12 =	veq.s32 v12, $0x3;
	vm1 =	vgt.f32 v56, v11;
	v13 =	vsel vm14, v56, v13  }
0x77: {  	v26 =	vld [tilespmem:$0x1FF70];
	[tilespmem:$0x1FFC0] =	vst v22;
	v22 =	vsel vm12, v43, v58;
	v19 =	vsel vm14, $0xFFFFFFFF, v61;
	v13 =	vsel vm1, v11, v13  }
0x78: {  	v18 =	vsel vm4, v24, v18;
	v11 =	vsel vm1, v56, v11;
	vm14 =	vgt.f32 v23, v13  }
0x79: {  	v24 =	vsel vm4, $0x2, v24;
	v25 =	vpop (erf);
	vm4 =	vgt.f32 v23, v11;
	v13 =	vsel vm14, v23, v13  }
0x7a: {  	v28 =	vld [tilespmem:$0x1FF80];
	v18 =	vsel vm5, $0x3, v18;
	v63 =	vadd.f32 $1.000000000e+00, v25;
	v13 =	vsel vm4, v11, v13  }
0x7b: {  	v11 =	vsel vm4, v23, v11;
	v23 =	vsel vm7, v24, v18;
	v24 =	vsel vm7, $0x3, v24  }
0x7c: {  	vm7 =	vnez.u8 v26;
	(erf) = vrcp.f32 v63;
	vm5 =	vgt.f32 v62, v11  }
0x7d: {  	[tilespmem:$0x1FFD0] =	vst v14;
	vm12 =	vgt.f32 v62, v13;
	v14 =	vsel vm7, $0x4, v23;
	vm7 =	veq.s32 v10, $0x4  }
0x7e: {  	v18 =	vsel vm10, $0x4, v24;
	vm5 =	vmneg vm5;
	v13 =	vsel vm12, v62, v13  }
0x7f: {  	v30 =	vld [tilespmem:$0x1FF90];
	v27 =	vnsel vm7, $0x0, v44;
	v14 =	vsel vm10, v24, v14;
	vm10 =	vnez.u8 v28  }
0x80: {  	v33 =	vld [tilespmem:$0x1FFA0];
	vm7 =	veq.s32 v12, $0x5;
	v13 =	vsel vm5, v13, v11;
	v11 =	vsel vm5, v11, v62  }
0x81: {  	v14 =	vsel vm10, $0x5, v14;
	vm10 =	veq.s32 v12, $0x4;
	v11 =	vsub.f32 v13, v11  }
0x82: {  	v13 =	vsel vm10, v43, v27;
	v14 =	vsel vm15, v18, v14;
	vm10 =	veq.s32 v10, $0x5  }
0x83: {  	v18 =	vsel vm15, $0x5, v18;
	vm15 =	veq.s32 v10, $0x6;
	v11 =	vmul.f32 $1.442695020e+00, v11  }
0x84: {  	v29 =	vnsel vm10, $0x0, v44;
	vm10 =	vnez.u8 v30;
	v31 =	vnsel vm15, $0x0, v44  }
0x85: {  	(erf) = vpow2.f32 v11;
	v11 =	vsel vm10, $0x6, v14;
	vm10 =	vnez.u8 v33  }
0x86: {  	v38 =	vld [tilespmem:$0x1FFB0];
	v12 =	vsel vm7, v43, v29;
	v11 =	vsel vm3, v18, v11;
	vm7 =	vmand vm10, vm6  }
0x87: {  	v41 =	vld [tilespmem:$0x1FFC0];
	v18 =	vsel vm3, $0x6, v18;
	v11 =	vsel vm13, $0x7, v11;
	v14 =	vsel vm7, v43, v31  }
0x88: {  	v32 =	vpop (erf);
	v35 =	vnsel vm2, $0x7, v18;
	vm13 =	veq.s32 v10, $0x7;
	v11 =	vsel vm2, v11, v18  }
0x89: {  	[tilespmem:$0x200] =	vst v7;
	v34 =	vmul.f32 v32, v25;
	v10 =	vnsel vm13, $0x0, v44;
	vm10 =	veq.s32 v35, $0x0  }
0x8a: {  	[tilespmem:$0x240] =	vst v2;
	vm15 =	veq.s32 v11, $0x0;
	v2 =	vsel vm6, v10, v43;
	vm13 =	veq.s32 v11, $0x1  }
0x8b: {  	[tilespmem:$0x280] =	vst v3;
	vm7 =	veq.s32 v11, $0x6;
	v36 =	vnsel vm15, $0x0, v34;
	v3 =	vnsel vm13, $0x0, v34  }
0x8c: {  	v45 =	vld [tilespmem:$0x1FFD0];
	vm15 =	vnez.u8 v38;
	vm13 =	vnez.u8 v41;
	[tilespmem:$0x3D0] =	vst v2;
	v2 =	vnsel vm7, $0x0, v34  }
0x8d: {  	[tilespmem:$0x2C0] =	vst v4;
	v37 =	vsel vm10, v32, v36;
	v4 =	vsel vm15, $0x1, v0;
	vm10 =	veq.s32 v35, $0x1  }
0x8e: {  	[tilespmem:$0x300] =	vst v5;
	vm15 =	veq.s32 v11, $0x2;
	v3 =	vsel vm10, v32, v3;
	v4 =	vsel vm8, $0x0, v4  }
0x8f: {  	[tilespmem:$0x340] =	vst v8;
	v47 =	vld [tilespmem:$0x1FFE0];
	v43 =	vnsel vm15, $0x0, v34;
	vm10 =	veq.s32 v11, $0x3;
	vm15 =	veq.s32 v35, $0x3  }
0x90: {  	[tilespmem:$0x1FFF0] =	vst v19;
	vm8 =	veq.s32 v35, $0x5;
	v4 =	vsel vm13, $0x2, v4;
	v44 =	vnsel vm10, $0x0, v34;
	v40 =	vpop (erf)  }
0x91: {  	[tilespmem:$0x380] =	vst v6;
	v49 =	vld [tilespmem:$0x1FFF0];
	vm13 =	vnez.u8 v45;
	vm10 =	veq.s32 v11, $0x4;
	v42 =	vadd.f32 $1.000000000e+00, v40  }
0x92: {  	[tilespmem:$0x210] =	vst v20;
	v4 =	vsel vm11, v39, v4;
	vm11 =	veq.s32 v35, $0x2;
	v8 =	vsel vm15, v32, v44  }
0x93: {  	[tilespmem:$0x250] =	vst v21;
	v48 =	vnsel vm10, $0x0, v34;
	v4 =	vsel vm13, $0x3, v4;
	(erf) = vrcp.f32 v42  }
0x94: {  	[tilespmem:$0x290] =	vst v57;
	vm15 =	veq.s32 v11, $0x5;
	v4 =	vsel vm9, v15, v4;
	vm9 =	vnez.u8 v47  }
0x95: {  	[tilespmem:$0x2D0] =	vst v22;
	vm10 =	veq.s32 v11, $0x7;
	v6 =	vsel vm11, v32, v43;
	v4 =	vsel vm9, $0x4, v4  }
0x96: {  	[tilespmem:$0x310] =	vst v13;
	vm11 =	veq.s32 v35, $0x4;
	vm13 =	vnez.u8 v49;
	v4 =	vsel vm0, v46, v4  }
0x97: {  	[tilespmem:$0x350] =	vst v12;
	v51 =	vnsel vm15, $0x0, v34;
	v54 =	vnsel vm10, $0x0, v34;
	v4 =	vsel vm13, $0x5, v4  }
0x98: {  	[tilespmem:$0x390] =	vst v14;
	v50 =	vsel vm11, v32, v48;
	v7 =	vsel vm8, v32, v51;
	v4 =	vsel vm1, v9, v4  }
0x99: {  	[tilespmem:$0x2A0] =	vst v6;
	v6 =	vsel vm2, v54, v32;
	v9 =	vsel vm1, $0x5, v9;
	v4 =	vsel vm14, $0x6, v4  }
0x9a: {  	[tilespmem:$0x220] =	vst v37;
	vm9 =	vmand vm3, vm2;
	v52 =	vsel vm4, $0x6, v9;
	v4 =	vsel vm4, v9, v4  }
0x9b: {  	[tilespmem:$0x260] =	vst v3;
	v2 =	vsel vm9, v32, v2;
	v3 =	vsel vm12, $0x7, v4;
	v4 =	vnsel vm5, $0x7, v52  }
0x9c: {  	[tilespmem:$0x2E0] =	vst v8;
	v3 =	vsel vm5, v3, v52;
	vm12 =	veq.s32 v4, $0x0;
	vm15 =	veq.s32 v4, $0x1;
	v53 =	vpop (erf)  }
0x9d: {  	[tilespmem:$0x320] =	vst v50;
	vm6 =	veq.s32 v4, $0x2;
	vm8 =	veq.s32 v4, $0x3;
	v5 =	vmul.f32 v53, v40  }
0x9e: {  	[tilespmem:$0x360] =	vst v7;
	vm11 =	veq.s32 v3, $0x0;
	vm13 =	veq.s32 v3, $0x1;
	vm14 =	veq.s32 v3, $0x2  }
0x9f: {  	[tilespmem:$0x3E0] =	vst v6;
	vm7 =	veq.s32 v3, $0x3;
	vm9 =	veq.s32 v3, $0x4;
	v55 =	vnsel vm11, $0x0, v5  }
0xa0: {  	[tilespmem:$0x3A0] =	vst v2;
	vm10 =	veq.s32 v3, $0x5;
	v57 =	vnsel vm13, $0x0, v5;
	v56 =	vsel vm12, v53, v55  }
0xa1: {  	v2 =	vnsel vm14, $0x0, v5;
	v59 =	vnsel vm7, $0x0, v5;
	v58 =	vsel vm15, v53, v57;
	[tilespmem:$0x230] =	vst v56  }
0xa2: {  	v61 =	vnsel vm9, $0x0, v5;
	vm11 =	veq.s32 v4, $0x4;
	v2 =	vsel vm6, v53, v2;
	[tilespmem:$0x270] =	vst v58  }
0xa3: {  	vm13 =	veq.s32 v3, $0x6;
	vm14 =	vmand vm4, vm5;
	v60 =	vsel vm8, v53, v59;
	[tilespmem:$0x2B0] =	vst v2  }
0xa4: {  	vm12 =	veq.s32 v4, $0x5;
	v62 =	vsel vm11, v53, v61;
	v2 =	vnsel vm10, $0x0, v5;
	[tilespmem:$0x2F0] =	vst v60  }
0xa5: {  	v63 =	vnsel vm13, $0x0, v5;
	vm15 =	veq.s32 v3, $0x7;
	[tilespmem:$0x330] =	vst v62;
	v2 =	vsel vm12, v53, v2  }
0xa6: {  	v3 =	vnsel vm15, $0x0, v5;
	[tilespmem:$0x370] =	vst v2;
	v2 =	vsel vm14, v53, v63  }
0xa7: {  	p0 =	sne.s32 s5, $0x1;
	[tilespmem:$0x3B0] =	vst v2;
	v2 =	vsel vm5, v3, v53  }
.Ltmp0:
0xa8: {  	[tilespmem:$0x3F0] =	vst v2;
	(pc) =	sbr.rel @p0 .LBB2_1-.Ltmp0, $4  }
0xa9: {  	[hbm4b:s4+s2] =	stream.linear.scatter [tilespmem:s7], [sflag:$0x1], $0x200, $0x38;
	[tilespmem:$0x400] =	vst v63  }
0xaa: {  	_ =	swait.ge [sflag:s6], $0x200  }
0xab: {  	[sflag:s6] =	ssyncset.done $0x0  }
0xac: {  	s5 =	sadd.s32 $0xFFFFFFFF, s5;
	[sflag:s6] =	ssyncadd.s32 $0xFFFFFE00  }
0xad: {  	_ =	sfence.sel $0x180000  }
0xae: {  	[bflag:$0x0] =	sbarrier.arrive $0xFFFF  }
0xaf: {  	p0 =	sne.s32 s1, $0x0;
	_ =	strace $0x90000047  }
0xb0: {  	s0 =	sadd.s32 @!p0 $0x100000, s0;
	[bflag:$0x2] =	sbarrier.arrive $0xFFFF  }
0xb1: {  	[sflag:s0] =	ssyncadd.tile.s32 @!p0 $0x1;
	_ =	shalt  }
.Lfunc_end2:
_tile_overlayer_lowered:
.L_overlay_start_2:
0xb2: {  	(tag) =	ssettag $0x2  }
0xb3: {  	s0 =	rddreg [dreg:$0x0];
	s2 =	stileid.u32  }
0xb4: {  	s1 =	rddreg [dreg:$0x1];
	p0 =	sne.s32 s2, $0x0  }
0xb5: {  	s3 =	rddreg [dreg:$0x2];
	[bflag:$0x3] =	sbarrier.arrive $0xFFFF;
	s2 =	simm.s32 @!p0 $0x1C01  }
0xb6: {  	[timem:s3], [sflag:s2] =	dma.local @!p0 [hbm:s0], s1  }
0xb7: {  	s0 =	simm.s32 @!p0 $0x1  }
0xb8: {  	_ =	swait.ge @!p0 [sflag:s0], s1  }
0xb9: {  	s1 =	ssub.s32 @!p0 $0x0, s1;
	[sflag:s0] =	ssyncset.done @!p0 $0x0  }
0xba: {  	[sflag:s0] =	ssyncadd.s32 @!p0 s1  }
0xbb: {  	[bflag:$0x3] =	sbarrier.arrive $0xFFFF  }
0xbc: {  	_ =	shalt  }

</sc_bundles>
